<compile_context>
chip_gen: v7x
topology: tpu7x:2x2x1
jax: 0.10.2.dev20260603
libtpu: 0.0.44.dev20260713+nightly
codegen_flags: <defaults>
</compile_context>

<pallas_src>
import functools

import jax
import jax.numpy as jnp
from jax import lax
from jax.experimental import pallas as pl
from jax.experimental.pallas import tpu as pltpu
from jax.experimental.pallas import tpu_sc as plsc

_N_NODES = 100000
_N_EDGES = 3276800
_N_CLICKED = 64
_PI = 0.25

_LANE = 128
_ROWS = 784
_NPAD = _ROWS * _LANE
_NC, _NS = 2, 16
_NW = _NC * _NS
_ROWS_PER_W = _N_EDGES // _NW // _LANE
_SLICE = _NPAD // _NS

_sc_mesh = plsc.VectorSubcoreMesh(
    core_axis_name="c", subcore_axis_name="s", num_cores=_NC, num_subcores=_NS
)


_N_CHUNKS = 5
_CHUNK = _N_EDGES // _NW // _N_CHUNKS


@functools.partial(
    pl.kernel,
    out_type=jax.ShapeDtypeStruct((_NC, _NPAD), jnp.float32),
    mesh=_sc_mesh,
    scratch_types=[
        pltpu.VMEM((_N_CHUNKS * _CHUNK,), jnp.int32),
        pltpu.VMEM((_CHUNK,), jnp.float32),
        pltpu.VMEM_SHARED((_NPAD,), jnp.float32),
    ],
    compiler_params=pltpu.CompilerParams(use_tc_tiling_on_sc=False),
)
def _sc_count(nodes0_hbm, zeros_hbm, ones_hbm, out_hbm, idx_v, ones_v, shared):
    cid = lax.axis_index("c")
    sid = lax.axis_index("s")

    pltpu.sync_copy(
        zeros_hbm.at[pl.ds(sid * _SLICE, _SLICE)],
        shared.at[pl.ds(sid * _SLICE, _SLICE)],
    )
    pltpu.sync_copy(ones_hbm, ones_v)
    wid = cid * _NS + sid
    pltpu.sync_copy(nodes0_hbm.at[pl.ds(wid * _N_CHUNKS * _CHUNK, _N_CHUNKS * _CHUNK)], idx_v)

    plsc.subcore_barrier()

    for j in range(_N_CHUNKS):
        pltpu.sync_copy(ones_v, shared.at[idx_v.at[pl.ds(j * _CHUNK, _CHUNK)]])

    plsc.subcore_barrier()

    pltpu.sync_copy(
        shared.at[pl.ds(sid * _SLICE, _SLICE)],
        out_hbm.at[cid, pl.ds(sid * _SLICE, _SLICE)],
    )


def _tc_loss_body(counts_ref, x_ref, clicked_ref, out_ref):
    c0 = counts_ref[0].astype(jnp.float32)
    c1 = counts_ref[1].astype(jnp.float32)
    row = lax.broadcasted_iota(jnp.int32, (_ROWS, _LANE), 0)
    col = lax.broadcasted_iota(jnp.int32, (_ROWS, _LANE), 1)
    ids = row * _LANE + col
    x = x_ref[...]

    mult = jnp.zeros((_ROWS, _LANE), jnp.float32)
    for i in range(_N_CLICKED):
        mult = mult + jnp.where(ids == clicked_ref[i], 1.0, 0.0)

    valid = ids < _N_NODES
    present = ((c0 > 0) | (c1 > 0)) & valid
    neg = present & (mult == 0.0)

    sp_p = jnp.maximum(x, 0.0) + jnp.log1p(jnp.exp(-jnp.abs(x)))
    sp_n = sp_p - x

    s_neg = jnp.sum(jnp.where(neg, sp_p, 0.0))
    n_neg = jnp.sum(jnp.where(neg, 1.0, 0.0))
    rp_minus = jnp.sum(mult * sp_p)
    rp_plus = jnp.sum(mult * sp_n)

    loss_p = _PI * rp_plus / _N_CLICKED
    loss_u = jnp.maximum(s_neg / n_neg - _PI * rp_minus / _N_CLICKED, 0.0)
    out_ref[0, 0] = loss_p + loss_u


_tc_loss = pl.pallas_call(
    _tc_loss_body,
    out_shape=jax.ShapeDtypeStruct((1, 1), jnp.float32),
    in_specs=[
        pl.BlockSpec(memory_space=pltpu.VMEM),
        pl.BlockSpec(memory_space=pltpu.VMEM),
        pl.BlockSpec(memory_space=pltpu.SMEM),
    ],
    out_specs=pl.BlockSpec(memory_space=pltpu.SMEM),
)


def kernel(input, nodes, clicked):
    nodes0 = jnp.ravel(nodes[0])
    zeros = jnp.zeros((_NPAD,), jnp.float32)
    ones = jnp.ones((_CHUNK,), jnp.float32)
    counts = _sc_count(nodes0, zeros, ones)
    x2 = jnp.pad(input, (0, _NPAD - _N_NODES)).reshape(_ROWS, _LANE)
    c3 = counts.reshape(_NC, _ROWS, _LANE)
    loss = _tc_loss(c3, x2, clicked)
    return loss[0, 0]

# --- scband reference (transcript-rebuilt; emitter-appended) ---
"""Pipeline reference for scband-cluster-puloss-20607253086622 (READ-ONLY COPY).

The authoritative reference and input builder live on the scoring server;
editing this copy changes nothing except your own understanding.
"""

import jax, jax.numpy as jnp
import numpy as np

N_NODES = 100000
N_EDGES = 3276800
N_CLICKED = 64
PI = 0.25


def setup_inputs(seed: int = 0) -> dict:
    key = jax.random.key(seed)
    k1, k2, k3 = jax.random.split(key, 3)
    inp = jax.random.normal(k1, (N_NODES,), dtype=jnp.float32)
    nodes = jax.random.randint(k2, (2, N_EDGES), 0, N_NODES, dtype=jnp.int32)
    clicked = jax.random.randint(k3, (N_CLICKED,), 0, N_NODES, dtype=jnp.int32)
    return {"input": inp, "nodes": nodes, "clicked": clicked}


def reference(input, nodes, clicked):
    # get_pos_negs, mode='single'
    all_clusters = jnp.unique(nodes[-1], size=N_NODES, fill_value=N_NODES)  # computed in original, unused in 'single' mode
    all_nodes = jnp.unique(nodes[0, :], size=N_NODES, fill_value=N_NODES)
    pos_nodes = clicked
    # compareview = pos_nodes.repeat(A,1).T ; neg = all_nodes where no pos matches
    valid_mask = all_nodes < N_NODES
    neg_mask = valid_mask & jnp.all(pos_nodes[:, None] != all_nodes[None, :], axis=0)
    # input = cat(input[neg_nodes], input[pos_nodes]); tgt = cat(zeros, ones)
    in_unl = jnp.take(input, all_nodes, axis=0, mode="clip")
    in_pos = jnp.take(input, pos_nodes, axis=0)
    # binary_cross_entropy_with_logits: tgt=1 -> softplus(-x); tgt=0 -> softplus(x)
    Rp_plus = jax.nn.softplus(-in_pos)
    Rp_minus = jax.nn.softplus(in_pos)
    Ru_minus_vals = jax.nn.softplus(in_unl)
    n_neg = jnp.sum(neg_mask)
    Ru_minus_mean = jnp.sum(jnp.where(neg_mask, Ru_minus_vals, 0.0)) / n_neg
    loss_p = PI * Rp_plus.mean()
    loss_u = Ru_minus_mean - PI * Rp_minus.mean()
    loss_u = jax.nn.relu(loss_u)
    return loss_p + loss_u

if __name__ == "__main__":
    import jax
    _d = setup_inputs()
    print(jax.jit(kernel)(*tuple(_d.values())))

</pallas_src>

<mosaic_0001>
#map = affine_map<(d0, d1) -> (0)>
#map1 = affine_map<(d0, d1) -> (0, 0)>
module attributes {stable_mosaic.version = 14 : i64} {
  func.func @_sc_count(%arg0: i32, %arg1: i32, %arg2: memref<3276800xi32, #tpu.memory_space<hbm>>, %arg3: memref<100352xf32, #tpu.memory_space<hbm>>, %arg4: memref<20480xf32, #tpu.memory_space<hbm>>, %arg5: memref<2x100352xf32, #tpu.memory_space<hbm>>, %arg6: memref<102400xi32, #tpu.memory_space<vmem>>, %arg7: memref<20480xf32, #tpu.memory_space<vmem>>, %arg8: memref<100352xf32, #tpu.memory_space<vmem_shared>>) attributes {dimension_semantics = [#tpu.dimension_semantics<core_parallel>, #tpu.dimension_semantics<subcore_parallel>], iteration_bounds = array<i64: 2, 16>, scalar_prefetch = 0 : i64, scratch_operands = 3 : i64, tpu.core_type = #tpu.core_type<sc_vector_subcore>, window_params = [{transform_indices = #map}, {transform_indices = #map}, {transform_indices = #map}, {transform_indices = #map1}]} {
    %mul3A = arith.constant 6272 : i32
    %mul3A_0 = arith.muli %arg1, %mul3A : i32
    %mul3A_1 = arith.constant 6272 : i32
    %mul3A_2 = arith.muli %arg1, %mul3A_1 : i32
    "tpu.region"() ({
      %run_scoped3A = tpu.sem_alloc : memref<!tpu.dma_semaphore, #tpu.memory_space<semaphore_mem>>
      %dma_start3A = tpu.memref_slice %arg8[%mul3A_2] : memref<100352xf32, #tpu.memory_space<vmem_shared>> -> memref<6272xf32, #tpu.memory_space<vmem_shared>>
      %dma_start3A_14 = tpu.memref_slice %arg3[%mul3A_0] : memref<100352xf32, #tpu.memory_space<hbm>> -> memref<6272xf32, #tpu.memory_space<hbm>>
      tpu.enqueue_dma source(%dma_start3A_14 : memref<6272xf32, #tpu.memory_space<hbm>>) target(%dma_start3A : memref<6272xf32, #tpu.memory_space<vmem_shared>>) target_semaphore(%run_scoped3A : memref<!tpu.dma_semaphore, #tpu.memory_space<semaphore_mem>>)
      %dma_wait3A = tpu.memref_slice %arg8[%mul3A_2] : memref<100352xf32, #tpu.memory_space<vmem_shared>> -> memref<6272xf32, #tpu.memory_space<vmem_shared>>
      %dma_wait3A_15 = tpu.memref_slice %arg3[%mul3A_0] : memref<100352xf32, #tpu.memory_space<hbm>> -> memref<6272xf32, #tpu.memory_space<hbm>>
      tpu.wait_dma2 semaphore(%run_scoped3A : memref<!tpu.dma_semaphore, #tpu.memory_space<semaphore_mem>>) src(%dma_wait3A_15 : memref<6272xf32, #tpu.memory_space<hbm>>) dst(%dma_wait3A : memref<6272xf32, #tpu.memory_space<vmem_shared>>)
      tpu.yield
    }) : () -> ()
    "tpu.region"() ({
      %run_scoped3A = tpu.sem_alloc : memref<!tpu.dma_semaphore, #tpu.memory_space<semaphore_mem>>
      tpu.enqueue_dma source(%arg4 : memref<20480xf32, #tpu.memory_space<hbm>>) target(%arg7 : memref<20480xf32, #tpu.memory_space<vmem>>) target_semaphore(%run_scoped3A : memref<!tpu.dma_semaphore, #tpu.memory_space<semaphore_mem>>)
      tpu.wait_dma2 semaphore(%run_scoped3A : memref<!tpu.dma_semaphore, #tpu.memory_space<semaphore_mem>>) src(%arg4 : memref<20480xf32, #tpu.memory_space<hbm>>) dst(%arg7 : memref<20480xf32, #tpu.memory_space<vmem>>)
      tpu.yield
    }) : () -> ()
    %mul3A_3 = arith.constant 16 : i32
    %mul3A_4 = arith.muli %arg0, %mul3A_3 : i32
    %add3A = arith.addi %mul3A_4, %arg1 : i32
    %mul3A_5 = arith.constant 5 : i32
    %mul3A_6 = arith.muli %add3A, %mul3A_5 : i32
    %mul3A_7 = arith.constant 20480 : i32
    %mul3A_8 = arith.muli %mul3A_6, %mul3A_7 : i32
    "tpu.region"() ({
      %run_scoped3A = tpu.sem_alloc : memref<!tpu.dma_semaphore, #tpu.memory_space<semaphore_mem>>
      %dma_start3A = tpu.memref_slice %arg2[%mul3A_8] : memref<3276800xi32, #tpu.memory_space<hbm>> -> memref<102400xi32, #tpu.memory_space<hbm>>
      %dma_start3A_14 = tpu.memref_slice %arg2[%mul3A_8] : memref<3276800xi32, #tpu.memory_space<hbm>> -> memref<102400xi32, #tpu.memory_space<hbm>>
      tpu.enqueue_dma source(%dma_start3A_14 : memref<102400xi32, #tpu.memory_space<hbm>>) target(%arg6 : memref<102400xi32, #tpu.memory_space<vmem>>) target_semaphore(%run_scoped3A : memref<!tpu.dma_semaphore, #tpu.memory_space<semaphore_mem>>)
      %dma_wait3A = tpu.memref_slice %arg2[%mul3A_8] : memref<3276800xi32, #tpu.memory_space<hbm>> -> memref<102400xi32, #tpu.memory_space<hbm>>
      %dma_wait3A_15 = tpu.memref_slice %arg2[%mul3A_8] : memref<3276800xi32, #tpu.memory_space<hbm>> -> memref<102400xi32, #tpu.memory_space<hbm>>
      tpu.wait_dma2 semaphore(%run_scoped3A : memref<!tpu.dma_semaphore, #tpu.memory_space<semaphore_mem>>) src(%dma_wait3A_15 : memref<102400xi32, #tpu.memory_space<hbm>>) dst(%arg6 : memref<102400xi32, #tpu.memory_space<vmem>>)
      tpu.yield
    }) : () -> ()
    %barrier3A = arith.constant 0 : index
    tpu.barrier barrier_id(%barrier3A)
    "tpu.region"() ({
      %run_scoped3A = tpu.sem_alloc : memref<!tpu.dma_semaphore, #tpu.memory_space<semaphore_mem>>
      %dma_start3A = arith.constant 0 : i32
      %dma_start3A_14 = tpu.memref_slice %arg6[%dma_start3A] : memref<102400xi32, #tpu.memory_space<vmem>> -> memref<20480xi32, #tpu.memory_space<vmem>>
      %dma_start3A_15 = arith.constant 0 : i32
      %dma_start3A_16 = tpu.memref_slice %arg8[%dma_start3A_15] : memref<100352xf32, #tpu.memory_space<vmem_shared>> -> memref<100352xf32, #tpu.memory_space<vmem_shared>>
      tpu.enqueue_indirect_dma source(%arg7 : memref<20480xf32, #tpu.memory_space<vmem>>) target(%dma_start3A_16 : memref<100352xf32, #tpu.memory_space<vmem_shared>>) offsets(%dma_start3A_14 : memref<20480xi32, #tpu.memory_space<vmem>>) semaphore(%run_scoped3A : memref<!tpu.dma_semaphore, #tpu.memory_space<semaphore_mem>>)
      %dma_wait3A = arith.constant 0 : i32
      %dma_wait3A_17 = tpu.memref_slice %arg6[%dma_wait3A] : memref<102400xi32, #tpu.memory_space<vmem>> -> memref<20480xi32, #tpu.memory_space<vmem>>
      %dma_wait3A_18 = arith.constant 0 : i32
      %dma_wait3A_19 = tpu.memref_slice %arg8[%dma_wait3A_18] : memref<100352xf32, #tpu.memory_space<vmem_shared>> -> memref<100352xf32, #tpu.memory_space<vmem_shared>>
      tpu.wait_indirect_dma semaphore(%run_scoped3A : memref<!tpu.dma_semaphore, #tpu.memory_space<semaphore_mem>>) src(%arg7 : memref<20480xf32, #tpu.memory_space<vmem>>) dst(%dma_wait3A_19 : memref<100352xf32, #tpu.memory_space<vmem_shared>>)
      tpu.yield
    }) : () -> ()
    "tpu.region"() ({
      %run_scoped3A = tpu.sem_alloc : memref<!tpu.dma_semaphore, #tpu.memory_space<semaphore_mem>>
      %dma_start3A = arith.constant 20480 : i32
      %dma_start3A_14 = tpu.memref_slice %arg6[%dma_start3A] : memref<102400xi32, #tpu.memory_space<vmem>> -> memref<20480xi32, #tpu.memory_space<vmem>>
      %dma_start3A_15 = arith.constant 0 : i32
      %dma_start3A_16 = tpu.memref_slice %arg8[%dma_start3A_15] : memref<100352xf32, #tpu.memory_space<vmem_shared>> -> memref<100352xf32, #tpu.memory_space<vmem_shared>>
      tpu.enqueue_indirect_dma source(%arg7 : memref<20480xf32, #tpu.memory_space<vmem>>) target(%dma_start3A_16 : memref<100352xf32, #tpu.memory_space<vmem_shared>>) offsets(%dma_start3A_14 : memref<20480xi32, #tpu.memory_space<vmem>>) semaphore(%run_scoped3A : memref<!tpu.dma_semaphore, #tpu.memory_space<semaphore_mem>>)
      %dma_wait3A = arith.constant 20480 : i32
      %dma_wait3A_17 = tpu.memref_slice %arg6[%dma_wait3A] : memref<102400xi32, #tpu.memory_space<vmem>> -> memref<20480xi32, #tpu.memory_space<vmem>>
      %dma_wait3A_18 = arith.constant 0 : i32
      %dma_wait3A_19 = tpu.memref_slice %arg8[%dma_wait3A_18] : memref<100352xf32, #tpu.memory_space<vmem_shared>> -> memref<100352xf32, #tpu.memory_space<vmem_shared>>
      tpu.wait_indirect_dma semaphore(%run_scoped3A : memref<!tpu.dma_semaphore, #tpu.memory_space<semaphore_mem>>) src(%arg7 : memref<20480xf32, #tpu.memory_space<vmem>>) dst(%dma_wait3A_19 : memref<100352xf32, #tpu.memory_space<vmem_shared>>)
      tpu.yield
    }) : () -> ()
    "tpu.region"() ({
      %run_scoped3A = tpu.sem_alloc : memref<!tpu.dma_semaphore, #tpu.memory_space<semaphore_mem>>
      %dma_start3A = arith.constant 40960 : i32
      %dma_start3A_14 = tpu.memref_slice %arg6[%dma_start3A] : memref<102400xi32, #tpu.memory_space<vmem>> -> memref<20480xi32, #tpu.memory_space<vmem>>
      %dma_start3A_15 = arith.constant 0 : i32
      %dma_start3A_16 = tpu.memref_slice %arg8[%dma_start3A_15] : memref<100352xf32, #tpu.memory_space<vmem_shared>> -> memref<100352xf32, #tpu.memory_space<vmem_shared>>
      tpu.enqueue_indirect_dma source(%arg7 : memref<20480xf32, #tpu.memory_space<vmem>>) target(%dma_start3A_16 : memref<100352xf32, #tpu.memory_space<vmem_shared>>) offsets(%dma_start3A_14 : memref<20480xi32, #tpu.memory_space<vmem>>) semaphore(%run_scoped3A : memref<!tpu.dma_semaphore, #tpu.memory_space<semaphore_mem>>)
      %dma_wait3A = arith.constant 40960 : i32
      %dma_wait3A_17 = tpu.memref_slice %arg6[%dma_wait3A] : memref<102400xi32, #tpu.memory_space<vmem>> -> memref<20480xi32, #tpu.memory_space<vmem>>
      %dma_wait3A_18 = arith.constant 0 : i32
      %dma_wait3A_19 = tpu.memref_slice %arg8[%dma_wait3A_18] : memref<100352xf32, #tpu.memory_space<vmem_shared>> -> memref<100352xf32, #tpu.memory_space<vmem_shared>>
      tpu.wait_indirect_dma semaphore(%run_scoped3A : memref<!tpu.dma_semaphore, #tpu.memory_space<semaphore_mem>>) src(%arg7 : memref<20480xf32, #tpu.memory_space<vmem>>) dst(%dma_wait3A_19 : memref<100352xf32, #tpu.memory_space<vmem_shared>>)
      tpu.yield
    }) : () -> ()
    "tpu.region"() ({
      %run_scoped3A = tpu.sem_alloc : memref<!tpu.dma_semaphore, #tpu.memory_space<semaphore_mem>>
      %dma_start3A = arith.constant 61440 : i32
      %dma_start3A_14 = tpu.memref_slice %arg6[%dma_start3A] : memref<102400xi32, #tpu.memory_space<vmem>> -> memref<20480xi32, #tpu.memory_space<vmem>>
      %dma_start3A_15 = arith.constant 0 : i32
      %dma_start3A_16 = tpu.memref_slice %arg8[%dma_start3A_15] : memref<100352xf32, #tpu.memory_space<vmem_shared>> -> memref<100352xf32, #tpu.memory_space<vmem_shared>>
      tpu.enqueue_indirect_dma source(%arg7 : memref<20480xf32, #tpu.memory_space<vmem>>) target(%dma_start3A_16 : memref<100352xf32, #tpu.memory_space<vmem_shared>>) offsets(%dma_start3A_14 : memref<20480xi32, #tpu.memory_space<vmem>>) semaphore(%run_scoped3A : memref<!tpu.dma_semaphore, #tpu.memory_space<semaphore_mem>>)
      %dma_wait3A = arith.constant 61440 : i32
      %dma_wait3A_17 = tpu.memref_slice %arg6[%dma_wait3A] : memref<102400xi32, #tpu.memory_space<vmem>> -> memref<20480xi32, #tpu.memory_space<vmem>>
      %dma_wait3A_18 = arith.constant 0 : i32
      %dma_wait3A_19 = tpu.memref_slice %arg8[%dma_wait3A_18] : memref<100352xf32, #tpu.memory_space<vmem_shared>> -> memref<100352xf32, #tpu.memory_space<vmem_shared>>
      tpu.wait_indirect_dma semaphore(%run_scoped3A : memref<!tpu.dma_semaphore, #tpu.memory_space<semaphore_mem>>) src(%arg7 : memref<20480xf32, #tpu.memory_space<vmem>>) dst(%dma_wait3A_19 : memref<100352xf32, #tpu.memory_space<vmem_shared>>)
      tpu.yield
    }) : () -> ()
    "tpu.region"() ({
      %run_scoped3A = tpu.sem_alloc : memref<!tpu.dma_semaphore, #tpu.memory_space<semaphore_mem>>
      %dma_start3A = arith.constant 81920 : i32
      %dma_start3A_14 = tpu.memref_slice %arg6[%dma_start3A] : memref<102400xi32, #tpu.memory_space<vmem>> -> memref<20480xi32, #tpu.memory_space<vmem>>
      %dma_start3A_15 = arith.constant 0 : i32
      %dma_start3A_16 = tpu.memref_slice %arg8[%dma_start3A_15] : memref<100352xf32, #tpu.memory_space<vmem_shared>> -> memref<100352xf32, #tpu.memory_space<vmem_shared>>
      tpu.enqueue_indirect_dma source(%arg7 : memref<20480xf32, #tpu.memory_space<vmem>>) target(%dma_start3A_16 : memref<100352xf32, #tpu.memory_space<vmem_shared>>) offsets(%dma_start3A_14 : memref<20480xi32, #tpu.memory_space<vmem>>) semaphore(%run_scoped3A : memref<!tpu.dma_semaphore, #tpu.memory_space<semaphore_mem>>)
      %dma_wait3A = arith.constant 81920 : i32
      %dma_wait3A_17 = tpu.memref_slice %arg6[%dma_wait3A] : memref<102400xi32, #tpu.memory_space<vmem>> -> memref<20480xi32, #tpu.memory_space<vmem>>
      %dma_wait3A_18 = arith.constant 0 : i32
      %dma_wait3A_19 = tpu.memref_slice %arg8[%dma_wait3A_18] : memref<100352xf32, #tpu.memory_space<vmem_shared>> -> memref<100352xf32, #tpu.memory_space<vmem_shared>>
      tpu.wait_indirect_dma semaphore(%run_scoped3A : memref<!tpu.dma_semaphore, #tpu.memory_space<semaphore_mem>>) src(%arg7 : memref<20480xf32, #tpu.memory_space<vmem>>) dst(%dma_wait3A_19 : memref<100352xf32, #tpu.memory_space<vmem_shared>>)
      tpu.yield
    }) : () -> ()
    %barrier3A_9 = arith.constant 0 : index
    tpu.barrier barrier_id(%barrier3A_9)
    %mul3A_10 = arith.constant 6272 : i32
    %mul3A_11 = arith.muli %arg1, %mul3A_10 : i32
    %mul3A_12 = arith.constant 6272 : i32
    %mul3A_13 = arith.muli %arg1, %mul3A_12 : i32
    "tpu.region"() ({
      %run_scoped3A = tpu.sem_alloc : memref<!tpu.dma_semaphore, #tpu.memory_space<semaphore_mem>>
      %dma_start3A = tpu.memref_slice %arg5[%arg0, %mul3A_13] : memref<2x100352xf32, #tpu.memory_space<hbm>> -> memref<1x6272xf32, #tpu.memory_space<hbm>>
      %dma_start3A_14 = tpu.memref_squeeze %dma_start3A : memref<1x6272xf32, #tpu.memory_space<hbm>> -> memref<6272xf32, #tpu.memory_space<hbm>>
      %dma_start3A_15 = tpu.memref_slice %arg8[%mul3A_11] : memref<100352xf32, #tpu.memory_space<vmem_shared>> -> memref<6272xf32, #tpu.memory_space<vmem_shared>>
      tpu.enqueue_dma source(%dma_start3A_15 : memref<6272xf32, #tpu.memory_space<vmem_shared>>) target(%dma_start3A_14 : memref<6272xf32, #tpu.memory_space<hbm>>) target_semaphore(%run_scoped3A : memref<!tpu.dma_semaphore, #tpu.memory_space<semaphore_mem>>)
      %dma_wait3A = tpu.memref_slice %arg5[%arg0, %mul3A_13] : memref<2x100352xf32, #tpu.memory_space<hbm>> -> memref<1x6272xf32, #tpu.memory_space<hbm>>
      %dma_wait3A_16 = tpu.memref_squeeze %dma_wait3A : memref<1x6272xf32, #tpu.memory_space<hbm>> -> memref<6272xf32, #tpu.memory_space<hbm>>
      %dma_wait3A_17 = tpu.memref_slice %arg8[%mul3A_11] : memref<100352xf32, #tpu.memory_space<vmem_shared>> -> memref<6272xf32, #tpu.memory_space<vmem_shared>>
      tpu.wait_dma2 semaphore(%run_scoped3A : memref<!tpu.dma_semaphore, #tpu.memory_space<semaphore_mem>>) src(%dma_wait3A_17 : memref<6272xf32, #tpu.memory_space<vmem_shared>>) dst(%dma_wait3A_16 : memref<6272xf32, #tpu.memory_space<hbm>>)
      tpu.yield
    }) : () -> ()
    return
  }
}

module attributes {stable_mosaic.version = 14 : i64} {
  func.func @_tc_loss_body(%arg0: memref<2x784x128xf32, #tpu.memory_space<vmem>>, %arg1: memref<784x128xf32, #tpu.memory_space<vmem>>, %arg2: memref<64xi32, #tpu.memory_space<smem>>, %arg3: memref<1x1xf32, #tpu.memory_space<smem>>) attributes {dimension_semantics = [], scalar_prefetch = 0 : i64, scratch_operands = 0 : i64, tpu.core_type = #tpu.core_type<tc>} {
    %get3A = arith.constant 0 : index
    %get3A_0 = arith.constant 0 : index
    %get3A_1 = arith.constant 0 : index
    %get3A_2 = vector.load %arg0[%get3A, %get3A_0, %get3A_1] : memref<2x784x128xf32, #tpu.memory_space<vmem>>, vector<1x784x128xf32>
    %get3A_3 = vector.shape_cast %get3A_2 : vector<1x784x128xf32> to vector<784x128xf32>
    %get3A_4 = arith.constant 1 : index
    %get3A_5 = arith.constant 0 : index
    %get3A_6 = arith.constant 0 : index
    %get3A_7 = vector.load %arg0[%get3A_4, %get3A_5, %get3A_6] : memref<2x784x128xf32, #tpu.memory_space<vmem>>, vector<1x784x128xf32>
    %get3A_8 = vector.shape_cast %get3A_7 : vector<1x784x128xf32> to vector<784x128xf32>
    %iota3A = tpu.iota {dimensions = array<i32: 0>} : vector<784x128xi32>
    %iota3A_9 = tpu.iota {dimensions = array<i32: 1>} : vector<784x128xi32>
    %mul3A = arith.constant 128 : i32
    %mul3A_10 = vector.broadcast %mul3A : i32 to vector<784x128xi32>
    %mul3A_11 = arith.muli %iota3A, %mul3A_10 : vector<784x128xi32>
    %add3A = arith.addi %mul3A_11, %iota3A_9 : vector<784x128xi32>
    %get3A_12 = arith.constant 0 : index
    %get3A_13 = arith.constant 0 : index
    %get3A_14 = vector.load %arg1[%get3A_12, %get3A_13] : memref<784x128xf32, #tpu.memory_space<vmem>>, vector<784x128xf32>
    %broadcast_in_dim3A = arith.constant 0.000000e+00 : f32
    %broadcast_in_dim3A_15 = vector.broadcast %broadcast_in_dim3A : f32 to vector<784x128xf32>
    %get3A_16 = arith.constant 0 : index
    %get3A_17 = memref.load %arg2[%get3A_16] : memref<64xi32, #tpu.memory_space<smem>>
    %eq3A = vector.broadcast %get3A_17 : i32 to vector<784x128xi32>
    %eq3A_18 = arith.cmpi eq, %add3A, %eq3A : vector<784x128xi32>
    %jit3A = arith.constant 1.000000e+00 : f32
    %jit3A_19 = arith.constant 0.000000e+00 : f32
    %broadcast_in_dim3A_20 = vector.broadcast %jit3A : f32 to vector<784x128xf32>
    %broadcast_in_dim3A_21 = vector.broadcast %jit3A_19 : f32 to vector<784x128xf32>
    %select_n3A = arith.select %eq3A_18, %broadcast_in_dim3A_20, %broadcast_in_dim3A_21 : vector<784x128xi1>, vector<784x128xf32>
    %add3A_22 = arith.addf %broadcast_in_dim3A_15, %select_n3A : vector<784x128xf32>
    %get3A_23 = arith.constant 1 : index
    %get3A_24 = memref.load %arg2[%get3A_23] : memref<64xi32, #tpu.memory_space<smem>>
    %eq3A_25 = vector.broadcast %get3A_24 : i32 to vector<784x128xi32>
    %eq3A_26 = arith.cmpi eq, %add3A, %eq3A_25 : vector<784x128xi32>
    %jit3A_27 = arith.constant 1.000000e+00 : f32
    %jit3A_28 = arith.constant 0.000000e+00 : f32
    %broadcast_in_dim3A_29 = vector.broadcast %jit3A_27 : f32 to vector<784x128xf32>
    %broadcast_in_dim3A_30 = vector.broadcast %jit3A_28 : f32 to vector<784x128xf32>
    %select_n3A_31 = arith.select %eq3A_26, %broadcast_in_dim3A_29, %broadcast_in_dim3A_30 : vector<784x128xi1>, vector<784x128xf32>
    %add3A_32 = arith.addf %add3A_22, %select_n3A_31 : vector<784x128xf32>
    %get3A_33 = arith.constant 2 : index
    %get3A_34 = memref.load %arg2[%get3A_33] : memref<64xi32, #tpu.memory_space<smem>>
    %eq3A_35 = vector.broadcast %get3A_34 : i32 to vector<784x128xi32>
    %eq3A_36 = arith.cmpi eq, %add3A, %eq3A_35 : vector<784x128xi32>
    %jit3A_37 = arith.constant 1.000000e+00 : f32
    %jit3A_38 = arith.constant 0.000000e+00 : f32
    %broadcast_in_dim3A_39 = vector.broadcast %jit3A_37 : f32 to vector<784x128xf32>
    %broadcast_in_dim3A_40 = vector.broadcast %jit3A_38 : f32 to vector<784x128xf32>
    %select_n3A_41 = arith.select %eq3A_36, %broadcast_in_dim3A_39, %broadcast_in_dim3A_40 : vector<784x128xi1>, vector<784x128xf32>
    %add3A_42 = arith.addf %add3A_32, %select_n3A_41 : vector<784x128xf32>
    %get3A_43 = arith.constant 3 : index
    %get3A_44 = memref.load %arg2[%get3A_43] : memref<64xi32, #tpu.memory_space<smem>>
    %eq3A_45 = vector.broadcast %get3A_44 : i32 to vector<784x128xi32>
    %eq3A_46 = arith.cmpi eq, %add3A, %eq3A_45 : vector<784x128xi32>
    %jit3A_47 = arith.constant 1.000000e+00 : f32
    %jit3A_48 = arith.constant 0.000000e+00 : f32
    %broadcast_in_dim3A_49 = vector.broadcast %jit3A_47 : f32 to vector<784x128xf32>
    %broadcast_in_dim3A_50 = vector.broadcast %jit3A_48 : f32 to vector<784x128xf32>
    %select_n3A_51 = arith.select %eq3A_46, %broadcast_in_dim3A_49, %broadcast_in_dim3A_50 : vector<784x128xi1>, vector<784x128xf32>
    %add3A_52 = arith.addf %add3A_42, %select_n3A_51 : vector<784x128xf32>
    %get3A_53 = arith.constant 4 : index
    %get3A_54 = memref.load %arg2[%get3A_53] : memref<64xi32, #tpu.memory_space<smem>>
    %eq3A_55 = vector.broadcast %get3A_54 : i32 to vector<784x128xi32>
    %eq3A_56 = arith.cmpi eq, %add3A, %eq3A_55 : vector<784x128xi32>
    %jit3A_57 = arith.constant 1.000000e+00 : f32
    %jit3A_58 = arith.constant 0.000000e+00 : f32
    %broadcast_in_dim3A_59 = vector.broadcast %jit3A_57 : f32 to vector<784x128xf32>
    %broadcast_in_dim3A_60 = vector.broadcast %jit3A_58 : f32 to vector<784x128xf32>
    %select_n3A_61 = arith.select %eq3A_56, %broadcast_in_dim3A_59, %broadcast_in_dim3A_60 : vector<784x128xi1>, vector<784x128xf32>
    %add3A_62 = arith.addf %add3A_52, %select_n3A_61 : vector<784x128xf32>
    %get3A_63 = arith.constant 5 : index
    %get3A_64 = memref.load %arg2[%get3A_63] : memref<64xi32, #tpu.memory_space<smem>>
    %eq3A_65 = vector.broadcast %get3A_64 : i32 to vector<784x128xi32>
    %eq3A_66 = arith.cmpi eq, %add3A, %eq3A_65 : vector<784x128xi32>
    %jit3A_67 = arith.constant 1.000000e+00 : f32
    %jit3A_68 = arith.constant 0.000000e+00 : f32
    %broadcast_in_dim3A_69 = vector.broadcast %jit3A_67 : f32 to vector<784x128xf32>
    %broadcast_in_dim3A_70 = vector.broadcast %jit3A_68 : f32 to vector<784x128xf32>
    %select_n3A_71 = arith.select %eq3A_66, %broadcast_in_dim3A_69, %broadcast_in_dim3A_70 : vector<784x128xi1>, vector<784x128xf32>
    %add3A_72 = arith.addf %add3A_62, %select_n3A_71 : vector<784x128xf32>
    %get3A_73 = arith.constant 6 : index
    %get3A_74 = memref.load %arg2[%get3A_73] : memref<64xi32, #tpu.memory_space<smem>>
    %eq3A_75 = vector.broadcast %get3A_74 : i32 to vector<784x128xi32>
    %eq3A_76 = arith.cmpi eq, %add3A, %eq3A_75 : vector<784x128xi32>
    %jit3A_77 = arith.constant 1.000000e+00 : f32
    %jit3A_78 = arith.constant 0.000000e+00 : f32
    %broadcast_in_dim3A_79 = vector.broadcast %jit3A_77 : f32 to vector<784x128xf32>
    %broadcast_in_dim3A_80 = vector.broadcast %jit3A_78 : f32 to vector<784x128xf32>
    %select_n3A_81 = arith.select %eq3A_76, %broadcast_in_dim3A_79, %broadcast_in_dim3A_80 : vector<784x128xi1>, vector<784x128xf32>
    %add3A_82 = arith.addf %add3A_72, %select_n3A_81 : vector<784x128xf32>
    %get3A_83 = arith.constant 7 : index
    %get3A_84 = memref.load %arg2[%get3A_83] : memref<64xi32, #tpu.memory_space<smem>>
    %eq3A_85 = vector.broadcast %get3A_84 : i32 to vector<784x128xi32>
    %eq3A_86 = arith.cmpi eq, %add3A, %eq3A_85 : vector<784x128xi32>
    %jit3A_87 = arith.constant 1.000000e+00 : f32
    %jit3A_88 = arith.constant 0.000000e+00 : f32
    %broadcast_in_dim3A_89 = vector.broadcast %jit3A_87 : f32 to vector<784x128xf32>
    %broadcast_in_dim3A_90 = vector.broadcast %jit3A_88 : f32 to vector<784x128xf32>
    %select_n3A_91 = arith.select %eq3A_86, %broadcast_in_dim3A_89, %broadcast_in_dim3A_90 : vector<784x128xi1>, vector<784x128xf32>
    %add3A_92 = arith.addf %add3A_82, %select_n3A_91 : vector<784x128xf32>
    %get3A_93 = arith.constant 8 : index
    %get3A_94 = memref.load %arg2[%get3A_93] : memref<64xi32, #tpu.memory_space<smem>>
    %eq3A_95 = vector.broadcast %get3A_94 : i32 to vector<784x128xi32>
    %eq3A_96 = arith.cmpi eq, %add3A, %eq3A_95 : vector<784x128xi32>
    %jit3A_97 = arith.constant 1.000000e+00 : f32
    %jit3A_98 = arith.constant 0.000000e+00 : f32
    %broadcast_in_dim3A_99 = vector.broadcast %jit3A_97 : f32 to vector<784x128xf32>
    %broadcast_in_dim3A_100 = vector.broadcast %jit3A_98 : f32 to vector<784x128xf32>
    %select_n3A_101 = arith.select %eq3A_96, %broadcast_in_dim3A_99, %broadcast_in_dim3A_100 : vector<784x128xi1>, vector<784x128xf32>
    %add3A_102 = arith.addf %add3A_92, %select_n3A_101 : vector<784x128xf32>
    %get3A_103 = arith.constant 9 : index
    %get3A_104 = memref.load %arg2[%get3A_103] : memref<64xi32, #tpu.memory_space<smem>>
    %eq3A_105 = vector.broadcast %get3A_104 : i32 to vector<784x128xi32>
    %eq3A_106 = arith.cmpi eq, %add3A, %eq3A_105 : vector<784x128xi32>
    %jit3A_107 = arith.constant 1.000000e+00 : f32
    %jit3A_108 = arith.constant 0.000000e+00 : f32
    %broadcast_in_dim3A_109 = vector.broadcast %jit3A_107 : f32 to vector<784x128xf32>
    %broadcast_in_dim3A_110 = vector.broadcast %jit3A_108 : f32 to vector<784x128xf32>
    %select_n3A_111 = arith.select %eq3A_106, %broadcast_in_dim3A_109, %broadcast_in_dim3A_110 : vector<784x128xi1>, vector<784x128xf32>
    %add3A_112 = arith.addf %add3A_102, %select_n3A_111 : vector<784x128xf32>
    %get3A_113 = arith.constant 10 : index
    %get3A_114 = memref.load %arg2[%get3A_113] : memref<64xi32, #tpu.memory_space<smem>>
    %eq3A_115 = vector.broadcast %get3A_114 : i32 to vector<784x128xi32>
    %eq3A_116 = arith.cmpi eq, %add3A, %eq3A_115 : vector<784x128xi32>
    %jit3A_117 = arith.constant 1.000000e+00 : f32
    %jit3A_118 = arith.constant 0.000000e+00 : f32
    %broadcast_in_dim3A_119 = vector.broadcast %jit3A_117 : f32 to vector<784x128xf32>
    %broadcast_in_dim3A_120 = vector.broadcast %jit3A_118 : f32 to vector<784x128xf32>
    %select_n3A_121 = arith.select %eq3A_116, %broadcast_in_dim3A_119, %broadcast_in_dim3A_120 : vector<784x128xi1>, vector<784x128xf32>
    %add3A_122 = arith.addf %add3A_112, %select_n3A_121 : vector<784x128xf32>
    %get3A_123 = arith.constant 11 : index
    %get3A_124 = memref.load %arg2[%get3A_123] : memref<64xi32, #tpu.memory_space<smem>>
    %eq3A_125 = vector.broadcast %get3A_124 : i32 to vector<784x128xi32>
    %eq3A_126 = arith.cmpi eq, %add3A, %eq3A_125 : vector<784x128xi32>
    %jit3A_127 = arith.constant 1.000000e+00 : f32
    %jit3A_128 = arith.constant 0.000000e+00 : f32
    %broadcast_in_dim3A_129 = vector.broadcast %jit3A_127 : f32 to vector<784x128xf32>
    %broadcast_in_dim3A_130 = vector.broadcast %jit3A_128 : f32 to vector<784x128xf32>
    %select_n3A_131 = arith.select %eq3A_126, %broadcast_in_dim3A_129, %broadcast_in_dim3A_130 : vector<784x128xi1>, vector<784x128xf32>
    %add3A_132 = arith.addf %add3A_122, %select_n3A_131 : vector<784x128xf32>
    %get3A_133 = arith.constant 12 : index
    %get3A_134 = memref.load %arg2[%get3A_133] : memref<64xi32, #tpu.memory_space<smem>>
    %eq3A_135 = vector.broadcast %get3A_134 : i32 to vector<784x128xi32>
    %eq3A_136 = arith.cmpi eq, %add3A, %eq3A_135 : vector<784x128xi32>
    %jit3A_137 = arith.constant 1.000000e+00 : f32
    %jit3A_138 = arith.constant 0.000000e+00 : f32
    %broadcast_in_dim3A_139 = vector.broadcast %jit3A_137 : f32 to vector<784x128xf32>
    %broadcast_in_dim3A_140 = vector.broadcast %jit3A_138 : f32 to vector<784x128xf32>
    %select_n3A_141 = arith.select %eq3A_136, %broadcast_in_dim3A_139, %broadcast_in_dim3A_140 : vector<784x128xi1>, vector<784x128xf32>
    %add3A_142 = arith.addf %add3A_132, %select_n3A_141 : vector<784x128xf32>
    %get3A_143 = arith.constant 13 : index
    %get3A_144 = memref.load %arg2[%get3A_143] : memref<64xi32, #tpu.memory_space<smem>>
    %eq3A_145 = vector.broadcast %get3A_144 : i32 to vector<784x128xi32>
    %eq3A_146 = arith.cmpi eq, %add3A, %eq3A_145 : vector<784x128xi32>
    %jit3A_147 = arith.constant 1.000000e+00 : f32
    %jit3A_148 = arith.constant 0.000000e+00 : f32
    %broadcast_in_dim3A_149 = vector.broadcast %jit3A_147 : f32 to vector<784x128xf32>
    %broadcast_in_dim3A_150 = vector.broadcast %jit3A_148 : f32 to vector<784x128xf32>
    %select_n3A_151 = arith.select %eq3A_146, %broadcast_in_dim3A_149, %broadcast_in_dim3A_150 : vector<784x128xi1>, vector<784x128xf32>
    %add3A_152 = arith.addf %add3A_142, %select_n3A_151 : vector<784x128xf32>
    %get3A_153 = arith.constant 14 : index
    %get3A_154 = memref.load %arg2[%get3A_153] : memref<64xi32, #tpu.memory_space<smem>>
    %eq3A_155 = vector.broadcast %get3A_154 : i32 to vector<784x128xi32>
    %eq3A_156 = arith.cmpi eq, %add3A, %eq3A_155 : vector<784x128xi32>
    %jit3A_157 = arith.constant 1.000000e+00 : f32
    %jit3A_158 = arith.constant 0.000000e+00 : f32
    %broadcast_in_dim3A_159 = vector.broadcast %jit3A_157 : f32 to vector<784x128xf32>
    %broadcast_in_dim3A_160 = vector.broadcast %jit3A_158 : f32 to vector<784x128xf32>
    %select_n3A_161 = arith.select %eq3A_156, %broadcast_in_dim3A_159, %broadcast_in_dim3A_160 : vector<784x128xi1>, vector<784x128xf32>
    %add3A_162 = arith.addf %add3A_152, %select_n3A_161 : vector<784x128xf32>
    %get3A_163 = arith.constant 15 : index
    %get3A_164 = memref.load %arg2[%get3A_163] : memref<64xi32, #tpu.memory_space<smem>>
    %eq3A_165 = vector.broadcast %get3A_164 : i32 to vector<784x128xi32>
    %eq3A_166 = arith.cmpi eq, %add3A, %eq3A_165 : vector<784x128xi32>
    %jit3A_167 = arith.constant 1.000000e+00 : f32
    %jit3A_168 = arith.constant 0.000000e+00 : f32
    %broadcast_in_dim3A_169 = vector.broadcast %jit3A_167 : f32 to vector<784x128xf32>
    %broadcast_in_dim3A_170 = vector.broadcast %jit3A_168 : f32 to vector<784x128xf32>
    %select_n3A_171 = arith.select %eq3A_166, %broadcast_in_dim3A_169, %broadcast_in_dim3A_170 : vector<784x128xi1>, vector<784x128xf32>
    %add3A_172 = arith.addf %add3A_162, %select_n3A_171 : vector<784x128xf32>
    %get3A_173 = arith.constant 16 : index
    %get3A_174 = memref.load %arg2[%get3A_173] : memref<64xi32, #tpu.memory_space<smem>>
    %eq3A_175 = vector.broadcast %get3A_174 : i32 to vector<784x128xi32>
    %eq3A_176 = arith.cmpi eq, %add3A, %eq3A_175 : vector<784x128xi32>
    %jit3A_177 = arith.constant 1.000000e+00 : f32
    %jit3A_178 = arith.constant 0.000000e+00 : f32
    %broadcast_in_dim3A_179 = vector.broadcast %jit3A_177 : f32 to vector<784x128xf32>
    %broadcast_in_dim3A_180 = vector.broadcast %jit3A_178 : f32 to vector<784x128xf32>
    %select_n3A_181 = arith.select %eq3A_176, %broadcast_in_dim3A_179, %broadcast_in_dim3A_180 : vector<784x128xi1>, vector<784x128xf32>
    %add3A_182 = arith.addf %add3A_172, %select_n3A_181 : vector<784x128xf32>
    %get3A_183 = arith.constant 17 : index
    %get3A_184 = memref.load %arg2[%get3A_183] : memref<64xi32, #tpu.memory_space<smem>>
    %eq3A_185 = vector.broadcast %get3A_184 : i32 to vector<784x128xi32>
    %eq3A_186 = arith.cmpi eq, %add3A, %eq3A_185 : vector<784x128xi32>
    %jit3A_187 = arith.constant 1.000000e+00 : f32
    %jit3A_188 = arith.constant 0.000000e+00 : f32
    %broadcast_in_dim3A_189 = vector.broadcast %jit3A_187 : f32 to vector<784x128xf32>
    %broadcast_in_dim3A_190 = vector.broadcast %jit3A_188 : f32 to vector<784x128xf32>
    %select_n3A_191 = arith.select %eq3A_186, %broadcast_in_dim3A_189, %broadcast_in_dim3A_190 : vector<784x128xi1>, vector<784x128xf32>
    %add3A_192 = arith.addf %add3A_182, %select_n3A_191 : vector<784x128xf32>
    %get3A_193 = arith.constant 18 : index
    %get3A_194 = memref.load %arg2[%get3A_193] : memref<64xi32, #tpu.memory_space<smem>>
    %eq3A_195 = vector.broadcast %get3A_194 : i32 to vector<784x128xi32>
    %eq3A_196 = arith.cmpi eq, %add3A, %eq3A_195 : vector<784x128xi32>
    %jit3A_197 = arith.constant 1.000000e+00 : f32
    %jit3A_198 = arith.constant 0.000000e+00 : f32
    %broadcast_in_dim3A_199 = vector.broadcast %jit3A_197 : f32 to vector<784x128xf32>
    %broadcast_in_dim3A_200 = vector.broadcast %jit3A_198 : f32 to vector<784x128xf32>
    %select_n3A_201 = arith.select %eq3A_196, %broadcast_in_dim3A_199, %broadcast_in_dim3A_200 : vector<784x128xi1>, vector<784x128xf32>
    %add3A_202 = arith.addf %add3A_192, %select_n3A_201 : vector<784x128xf32>
    %get3A_203 = arith.constant 19 : index
    %get3A_204 = memref.load %arg2[%get3A_203] : memref<64xi32, #tpu.memory_space<smem>>
    %eq3A_205 = vector.broadcast %get3A_204 : i32 to vector<784x128xi32>
    %eq3A_206 = arith.cmpi eq, %add3A, %eq3A_205 : vector<784x128xi32>
    %jit3A_207 = arith.constant 1.000000e+00 : f32
    %jit3A_208 = arith.constant 0.000000e+00 : f32
    %broadcast_in_dim3A_209 = vector.broadcast %jit3A_207 : f32 to vector<784x128xf32>
    %broadcast_in_dim3A_210 = vector.broadcast %jit3A_208 : f32 to vector<784x128xf32>
    %select_n3A_211 = arith.select %eq3A_206, %broadcast_in_dim3A_209, %broadcast_in_dim3A_210 : vector<784x128xi1>, vector<784x128xf32>
    %add3A_212 = arith.addf %add3A_202, %select_n3A_211 : vector<784x128xf32>
    %get3A_213 = arith.constant 20 : index
    %get3A_214 = memref.load %arg2[%get3A_213] : memref<64xi32, #tpu.memory_space<smem>>
    %eq3A_215 = vector.broadcast %get3A_214 : i32 to vector<784x128xi32>
    %eq3A_216 = arith.cmpi eq, %add3A, %eq3A_215 : vector<784x128xi32>
    %jit3A_217 = arith.constant 1.000000e+00 : f32
    %jit3A_218 = arith.constant 0.000000e+00 : f32
    %broadcast_in_dim3A_219 = vector.broadcast %jit3A_217 : f32 to vector<784x128xf32>
    %broadcast_in_dim3A_220 = vector.broadcast %jit3A_218 : f32 to vector<784x128xf32>
    %select_n3A_221 = arith.select %eq3A_216, %broadcast_in_dim3A_219, %broadcast_in_dim3A_220 : vector<784x128xi1>, vector<784x128xf32>
    %add3A_222 = arith.addf %add3A_212, %select_n3A_221 : vector<784x128xf32>
    %get3A_223 = arith.constant 21 : index
    %get3A_224 = memref.load %arg2[%get3A_223] : memref<64xi32, #tpu.memory_space<smem>>
    %eq3A_225 = vector.broadcast %get3A_224 : i32 to vector<784x128xi32>
    %eq3A_226 = arith.cmpi eq, %add3A, %eq3A_225 : vector<784x128xi32>
    %jit3A_227 = arith.constant 1.000000e+00 : f32
    %jit3A_228 = arith.constant 0.000000e+00 : f32
    %broadcast_in_dim3A_229 = vector.broadcast %jit3A_227 : f32 to vector<784x128xf32>
    %broadcast_in_dim3A_230 = vector.broadcast %jit3A_228 : f32 to vector<784x128xf32>
    %select_n3A_231 = arith.select %eq3A_226, %broadcast_in_dim3A_229, %broadcast_in_dim3A_230 : vector<784x128xi1>, vector<784x128xf32>
    %add3A_232 = arith.addf %add3A_222, %select_n3A_231 : vector<784x128xf32>
    %get3A_233 = arith.constant 22 : index
    %get3A_234 = memref.load %arg2[%get3A_233] : memref<64xi32, #tpu.memory_space<smem>>
    %eq3A_235 = vector.broadcast %get3A_234 : i32 to vector<784x128xi32>
    %eq3A_236 = arith.cmpi eq, %add3A, %eq3A_235 : vector<784x128xi32>
    %jit3A_237 = arith.constant 1.000000e+00 : f32
    %jit3A_238 = arith.constant 0.000000e+00 : f32
    %broadcast_in_dim3A_239 = vector.broadcast %jit3A_237 : f32 to vector<784x128xf32>
    %broadcast_in_dim3A_240 = vector.broadcast %jit3A_238 : f32 to vector<784x128xf32>
    %select_n3A_241 = arith.select %eq3A_236, %broadcast_in_dim3A_239, %broadcast_in_dim3A_240 : vector<784x128xi1>, vector<784x128xf32>
    %add3A_242 = arith.addf %add3A_232, %select_n3A_241 : vector<784x128xf32>
    %get3A_243 = arith.constant 23 : index
    %get3A_244 = memref.load %arg2[%get3A_243] : memref<64xi32, #tpu.memory_space<smem>>
    %eq3A_245 = vector.broadcast %get3A_244 : i32 to vector<784x128xi32>
    %eq3A_246 = arith.cmpi eq, %add3A, %eq3A_245 : vector<784x128xi32>
    %jit3A_247 = arith.constant 1.000000e+00 : f32
    %jit3A_248 = arith.constant 0.000000e+00 : f32
    %broadcast_in_dim3A_249 = vector.broadcast %jit3A_247 : f32 to vector<784x128xf32>
    %broadcast_in_dim3A_250 = vector.broadcast %jit3A_248 : f32 to vector<784x128xf32>
    %select_n3A_251 = arith.select %eq3A_246, %broadcast_in_dim3A_249, %broadcast_in_dim3A_250 : vector<784x128xi1>, vector<784x128xf32>
    %add3A_252 = arith.addf %add3A_242, %select_n3A_251 : vector<784x128xf32>
    %get3A_253 = arith.constant 24 : index
    %get3A_254 = memref.load %arg2[%get3A_253] : memref<64xi32, #tpu.memory_space<smem>>
    %eq3A_255 = vector.broadcast %get3A_254 : i32 to vector<784x128xi32>
    %eq3A_256 = arith.cmpi eq, %add3A, %eq3A_255 : vector<784x128xi32>
    %jit3A_257 = arith.constant 1.000000e+00 : f32
    %jit3A_258 = arith.constant 0.000000e+00 : f32
    %broadcast_in_dim3A_259 = vector.broadcast %jit3A_257 : f32 to vector<784x128xf32>
    %broadcast_in_dim3A_260 = vector.broadcast %jit3A_258 : f32 to vector<784x128xf32>
    %select_n3A_261 = arith.select %eq3A_256, %broadcast_in_dim3A_259, %broadcast_in_dim3A_260 : vector<784x128xi1>, vector<784x128xf32>
    %add3A_262 = arith.addf %add3A_252, %select_n3A_261 : vector<784x128xf32>
    %get3A_263 = arith.constant 25 : index
    %get3A_264 = memref.load %arg2[%get3A_263] : memref<64xi32, #tpu.memory_space<smem>>
    %eq3A_265 = vector.broadcast %get3A_264 : i32 to vector<784x128xi32>
    %eq3A_266 = arith.cmpi eq, %add3A, %eq3A_265 : vector<784x128xi32>
    %jit3A_267 = arith.constant 1.000000e+00 : f32
    %jit3A_268 = arith.constant 0.000000e+00 : f32
    %broadcast_in_dim3A_269 = vector.broadcast %jit3A_267 : f32 to vector<784x128xf32>
    %broadcast_in_dim3A_270 = vector.broadcast %jit3A_268 : f32 to vector<784x128xf32>
    %select_n3A_271 = arith.select %eq3A_266, %broadcast_in_dim3A_269, %broadcast_in_dim3A_270 : vector<784x128xi1>, vector<784x128xf32>
    %add3A_272 = arith.addf %add3A_262, %select_n3A_271 : vector<784x128xf32>
    %get3A_273 = arith.constant 26 : index
    %get3A_274 = memref.load %arg2[%get3A_273] : memref<64xi32, #tpu.memory_space<smem>>
    %eq3A_275 = vector.broadcast %get3A_274 : i32 to vector<784x128xi32>
    %eq3A_276 = arith.cmpi eq, %add3A, %eq3A_275 : vector<784x128xi32>
    %jit3A_277 = arith.constant 1.000000e+00 : f32
    %jit3A_278 = arith.constant 0.000000e+00 : f32
    %broadcast_in_dim3A_279 = vector.broadcast %jit3A_277 : f32 to vector<784x128xf32>
    %broadcast_in_dim3A_280 = vector.broadcast %jit3A_278 : f32 to vector<784x128xf32>
    %select_n3A_281 = arith.select %eq3A_276, %broadcast_in_dim3A_279, %broadcast_in_dim3A_280 : vector<784x128xi1>, vector<784x128xf32>
    %add3A_282 = arith.addf %add3A_272, %select_n3A_281 : vector<784x128xf32>
    %get3A_283 = arith.constant 27 : index
    %get3A_284 = memref.load %arg2[%get3A_283] : memref<64xi32, #tpu.memory_space<smem>>
    %eq3A_285 = vector.broadcast %get3A_284 : i32 to vector<784x128xi32>
    %eq3A_286 = arith.cmpi eq, %add3A, %eq3A_285 : vector<784x128xi32>
    %jit3A_287 = arith.constant 1.000000e+00 : f32
    %jit3A_288 = arith.constant 0.000000e+00 : f32
    %broadcast_in_dim3A_289 = vector.broadcast %jit3A_287 : f32 to vector<784x128xf32>
    %broadcast_in_dim3A_290 = vector.broadcast %jit3A_288 : f32 to vector<784x128xf32>
    %select_n3A_291 = arith.select %eq3A_286, %broadcast_in_dim3A_289, %broadcast_in_dim3A_290 : vector<784x128xi1>, vector<784x128xf32>
    %add3A_292 = arith.addf %add3A_282, %select_n3A_291 : vector<784x128xf32>
    %get3A_293 = arith.constant 28 : index
    %get3A_294 = memref.load %arg2[%get3A_293] : memref<64xi32, #tpu.memory_space<smem>>
    %eq3A_295 = vector.broadcast %get3A_294 : i32 to vector<784x128xi32>
    %eq3A_296 = arith.cmpi eq, %add3A, %eq3A_295 : vector<784x128xi32>
    %jit3A_297 = arith.constant 1.000000e+00 : f32
    %jit3A_298 = arith.constant 0.000000e+00 : f32
    %broadcast_in_dim3A_299 = vector.broadcast %jit3A_297 : f32 to vector<784x128xf32>
    %broadcast_in_dim3A_300 = vector.broadcast %jit3A_298 : f32 to vector<784x128xf32>
    %select_n3A_301 = arith.select %eq3A_296, %broadcast_in_dim3A_299, %broadcast_in_dim3A_300 : vector<784x128xi1>, vector<784x128xf32>
    %add3A_302 = arith.addf %add3A_292, %select_n3A_301 : vector<784x128xf32>
    %get3A_303 = arith.constant 29 : index
    %get3A_304 = memref.load %arg2[%get3A_303] : memref<64xi32, #tpu.memory_space<smem>>
    %eq3A_305 = vector.broadcast %get3A_304 : i32 to vector<784x128xi32>
    %eq3A_306 = arith.cmpi eq, %add3A, %eq3A_305 : vector<784x128xi32>
    %jit3A_307 = arith.constant 1.000000e+00 : f32
    %jit3A_308 = arith.constant 0.000000e+00 : f32
    %broadcast_in_dim3A_309 = vector.broadcast %jit3A_307 : f32 to vector<784x128xf32>
    %broadcast_in_dim3A_310 = vector.broadcast %jit3A_308 : f32 to vector<784x128xf32>
    %select_n3A_311 = arith.select %eq3A_306, %broadcast_in_dim3A_309, %broadcast_in_dim3A_310 : vector<784x128xi1>, vector<784x128xf32>
    %add3A_312 = arith.addf %add3A_302, %select_n3A_311 : vector<784x128xf32>
    %get3A_313 = arith.constant 30 : index
    %get3A_314 = memref.load %arg2[%get3A_313] : memref<64xi32, #tpu.memory_space<smem>>
    %eq3A_315 = vector.broadcast %get3A_314 : i32 to vector<784x128xi32>
    %eq3A_316 = arith.cmpi eq, %add3A, %eq3A_315 : vector<784x128xi32>
    %jit3A_317 = arith.constant 1.000000e+00 : f32
    %jit3A_318 = arith.constant 0.000000e+00 : f32
    %broadcast_in_dim3A_319 = vector.broadcast %jit3A_317 : f32 to vector<784x128xf32>
    %broadcast_in_dim3A_320 = vector.broadcast %jit3A_318 : f32 to vector<784x128xf32>
    %select_n3A_321 = arith.select %eq3A_316, %broadcast_in_dim3A_319, %broadcast_in_dim3A_320 : vector<784x128xi1>, vector<784x128xf32>
    %add3A_322 = arith.addf %add3A_312, %select_n3A_321 : vector<784x128xf32>
    %get3A_323 = arith.constant 31 : index
    %get3A_324 = memref.load %arg2[%get3A_323] : memref<64xi32, #tpu.memory_space<smem>>
    %eq3A_325 = vector.broadcast %get3A_324 : i32 to vector<784x128xi32>
    %eq3A_326 = arith.cmpi eq, %add3A, %eq3A_325 : vector<784x128xi32>
    %jit3A_327 = arith.constant 1.000000e+00 : f32
    %jit3A_328 = arith.constant 0.000000e+00 : f32
    %broadcast_in_dim3A_329 = vector.broadcast %jit3A_327 : f32 to vector<784x128xf32>
    %broadcast_in_dim3A_330 = vector.broadcast %jit3A_328 : f32 to vector<784x128xf32>
    %select_n3A_331 = arith.select %eq3A_326, %broadcast_in_dim3A_329, %broadcast_in_dim3A_330 : vector<784x128xi1>, vector<784x128xf32>
    %add3A_332 = arith.addf %add3A_322, %select_n3A_331 : vector<784x128xf32>
    %get3A_333 = arith.constant 32 : index
    %get3A_334 = memref.load %arg2[%get3A_333] : memref<64xi32, #tpu.memory_space<smem>>
    %eq3A_335 = vector.broadcast %get3A_334 : i32 to vector<784x128xi32>
    %eq3A_336 = arith.cmpi eq, %add3A, %eq3A_335 : vector<784x128xi32>
    %jit3A_337 = arith.constant 1.000000e+00 : f32
    %jit3A_338 = arith.constant 0.000000e+00 : f32
    %broadcast_in_dim3A_339 = vector.broadcast %jit3A_337 : f32 to vector<784x128xf32>
    %broadcast_in_dim3A_340 = vector.broadcast %jit3A_338 : f32 to vector<784x128xf32>
    %select_n3A_341 = arith.select %eq3A_336, %broadcast_in_dim3A_339, %broadcast_in_dim3A_340 : vector<784x128xi1>, vector<784x128xf32>
    %add3A_342 = arith.addf %add3A_332, %select_n3A_341 : vector<784x128xf32>
    %get3A_343 = arith.constant 33 : index
    %get3A_344 = memref.load %arg2[%get3A_343] : memref<64xi32, #tpu.memory_space<smem>>
    %eq3A_345 = vector.broadcast %get3A_344 : i32 to vector<784x128xi32>
    %eq3A_346 = arith.cmpi eq, %add3A, %eq3A_345 : vector<784x128xi32>
    %jit3A_347 = arith.constant 1.000000e+00 : f32
    %jit3A_348 = arith.constant 0.000000e+00 : f32
    %broadcast_in_dim3A_349 = vector.broadcast %jit3A_347 : f32 to vector<784x128xf32>
    %broadcast_in_dim3A_350 = vector.broadcast %jit3A_348 : f32 to vector<784x128xf32>
    %select_n3A_351 = arith.select %eq3A_346, %broadcast_in_dim3A_349, %broadcast_in_dim3A_350 : vector<784x128xi1>, vector<784x128xf32>
    %add3A_352 = arith.addf %add3A_342, %select_n3A_351 : vector<784x128xf32>
    %get3A_353 = arith.constant 34 : index
    %get3A_354 = memref.load %arg2[%get3A_353] : memref<64xi32, #tpu.memory_space<smem>>
    %eq3A_355 = vector.broadcast %get3A_354 : i32 to vector<784x128xi32>
    %eq3A_356 = arith.cmpi eq, %add3A, %eq3A_355 : vector<784x128xi32>
    %jit3A_357 = arith.constant 1.000000e+00 : f32
    %jit3A_358 = arith.constant 0.000000e+00 : f32
    %broadcast_in_dim3A_359 = vector.broadcast %jit3A_357 : f32 to vector<784x128xf32>
    %broadcast_in_dim3A_360 = vector.broadcast %jit3A_358 : f32 to vector<784x128xf32>
    %select_n3A_361 = arith.select %eq3A_356, %broadcast_in_dim3A_359, %broadcast_in_dim3A_360 : vector<784x128xi1>, vector<784x128xf32>
    %add3A_362 = arith.addf %add3A_352, %select_n3A_361 : vector<784x128xf32>
    %get3A_363 = arith.constant 35 : index
    %get3A_364 = memref.load %arg2[%get3A_363] : memref<64xi32, #tpu.memory_space<smem>>
    %eq3A_365 = vector.broadcast %get3A_364 : i32 to vector<784x128xi32>
    %eq3A_366 = arith.cmpi eq, %add3A, %eq3A_365 : vector<784x128xi32>
    %jit3A_367 = arith.constant 1.000000e+00 : f32
    %jit3A_368 = arith.constant 0.000000e+00 : f32
    %broadcast_in_dim3A_369 = vector.broadcast %jit3A_367 : f32 to vector<784x128xf32>
    %broadcast_in_dim3A_370 = vector.broadcast %jit3A_368 : f32 to vector<784x128xf32>
    %select_n3A_371 = arith.select %eq3A_366, %broadcast_in_dim3A_369, %broadcast_in_dim3A_370 : vector<784x128xi1>, vector<784x128xf32>
    %add3A_372 = arith.addf %add3A_362, %select_n3A_371 : vector<784x128xf32>
    %get3A_373 = arith.constant 36 : index
    %get3A_374 = memref.load %arg2[%get3A_373] : memref<64xi32, #tpu.memory_space<smem>>
    %eq3A_375 = vector.broadcast %get3A_374 : i32 to vector<784x128xi32>
    %eq3A_376 = arith.cmpi eq, %add3A, %eq3A_375 : vector<784x128xi32>
    %jit3A_377 = arith.constant 1.000000e+00 : f32
    %jit3A_378 = arith.constant 0.000000e+00 : f32
    %broadcast_in_dim3A_379 = vector.broadcast %jit3A_377 : f32 to vector<784x128xf32>
    %broadcast_in_dim3A_380 = vector.broadcast %jit3A_378 : f32 to vector<784x128xf32>
    %select_n3A_381 = arith.select %eq3A_376, %broadcast_in_dim3A_379, %broadcast_in_dim3A_380 : vector<784x128xi1>, vector<784x128xf32>
    %add3A_382 = arith.addf %add3A_372, %select_n3A_381 : vector<784x128xf32>
    %get3A_383 = arith.constant 37 : index
    %get3A_384 = memref.load %arg2[%get3A_383] : memref<64xi32, #tpu.memory_space<smem>>
    %eq3A_385 = vector.broadcast %get3A_384 : i32 to vector<784x128xi32>
    %eq3A_386 = arith.cmpi eq, %add3A, %eq3A_385 : vector<784x128xi32>
    %jit3A_387 = arith.constant 1.000000e+00 : f32
    %jit3A_388 = arith.constant 0.000000e+00 : f32
    %broadcast_in_dim3A_389 = vector.broadcast %jit3A_387 : f32 to vector<784x128xf32>
    %broadcast_in_dim3A_390 = vector.broadcast %jit3A_388 : f32 to vector<784x128xf32>
    %select_n3A_391 = arith.select %eq3A_386, %broadcast_in_dim3A_389, %broadcast_in_dim3A_390 : vector<784x128xi1>, vector<784x128xf32>
    %add3A_392 = arith.addf %add3A_382, %select_n3A_391 : vector<784x128xf32>
    %get3A_393 = arith.constant 38 : index
    %get3A_394 = memref.load %arg2[%get3A_393] : memref<64xi32, #tpu.memory_space<smem>>
    %eq3A_395 = vector.broadcast %get3A_394 : i32 to vector<784x128xi32>
    %eq3A_396 = arith.cmpi eq, %add3A, %eq3A_395 : vector<784x128xi32>
    %jit3A_397 = arith.constant 1.000000e+00 : f32
    %jit3A_398 = arith.constant 0.000000e+00 : f32
    %broadcast_in_dim3A_399 = vector.broadcast %jit3A_397 : f32 to vector<784x128xf32>
    %broadcast_in_dim3A_400 = vector.broadcast %jit3A_398 : f32 to vector<784x128xf32>
    %select_n3A_401 = arith.select %eq3A_396, %broadcast_in_dim3A_399, %broadcast_in_dim3A_400 : vector<784x128xi1>, vector<784x128xf32>
    %add3A_402 = arith.addf %add3A_392, %select_n3A_401 : vector<784x128xf32>
    %get3A_403 = arith.constant 39 : index
    %get3A_404 = memref.load %arg2[%get3A_403] : memref<64xi32, #tpu.memory_space<smem>>
    %eq3A_405 = vector.broadcast %get3A_404 : i32 to vector<784x128xi32>
    %eq3A_406 = arith.cmpi eq, %add3A, %eq3A_405 : vector<784x128xi32>
    %jit3A_407 = arith.constant 1.000000e+00 : f32
    %jit3A_408 = arith.constant 0.000000e+00 : f32
    %broadcast_in_dim3A_409 = vector.broadcast %jit3A_407 : f32 to vector<784x128xf32>
    %broadcast_in_dim3A_410 = vector.broadcast %jit3A_408 : f32 to vector<784x128xf32>
    %select_n3A_411 = arith.select %eq3A_406, %broadcast_in_dim3A_409, %broadcast_in_dim3A_410 : vector<784x128xi1>, vector<784x128xf32>
    %add3A_412 = arith.addf %add3A_402, %select_n3A_411 : vector<784x128xf32>
    %get3A_413 = arith.constant 40 : index
    %get3A_414 = memref.load %arg2[%get3A_413] : memref<64xi32, #tpu.memory_space<smem>>
    %eq3A_415 = vector.broadcast %get3A_414 : i32 to vector<784x128xi32>
    %eq3A_416 = arith.cmpi eq, %add3A, %eq3A_415 : vector<784x128xi32>
    %jit3A_417 = arith.constant 1.000000e+00 : f32
    %jit3A_418 = arith.constant 0.000000e+00 : f32
    %broadcast_in_dim3A_419 = vector.broadcast %jit3A_417 : f32 to vector<784x128xf32>
    %broadcast_in_dim3A_420 = vector.broadcast %jit3A_418 : f32 to vector<784x128xf32>
    %select_n3A_421 = arith.select %eq3A_416, %broadcast_in_dim3A_419, %broadcast_in_dim3A_420 : vector<784x128xi1>, vector<784x128xf32>
    %add3A_422 = arith.addf %add3A_412, %select_n3A_421 : vector<784x128xf32>
    %get3A_423 = arith.constant 41 : index
    %get3A_424 = memref.load %arg2[%get3A_423] : memref<64xi32, #tpu.memory_space<smem>>
    %eq3A_425 = vector.broadcast %get3A_424 : i32 to vector<784x128xi32>
    %eq3A_426 = arith.cmpi eq, %add3A, %eq3A_425 : vector<784x128xi32>
    %jit3A_427 = arith.constant 1.000000e+00 : f32
    %jit3A_428 = arith.constant 0.000000e+00 : f32
    %broadcast_in_dim3A_429 = vector.broadcast %jit3A_427 : f32 to vector<784x128xf32>
    %broadcast_in_dim3A_430 = vector.broadcast %jit3A_428 : f32 to vector<784x128xf32>
    %select_n3A_431 = arith.select %eq3A_426, %broadcast_in_dim3A_429, %broadcast_in_dim3A_430 : vector<784x128xi1>, vector<784x128xf32>
    %add3A_432 = arith.addf %add3A_422, %select_n3A_431 : vector<784x128xf32>
    %get3A_433 = arith.constant 42 : index
    %get3A_434 = memref.load %arg2[%get3A_433] : memref<64xi32, #tpu.memory_space<smem>>
    %eq3A_435 = vector.broadcast %get3A_434 : i32 to vector<784x128xi32>
    %eq3A_436 = arith.cmpi eq, %add3A, %eq3A_435 : vector<784x128xi32>
    %jit3A_437 = arith.constant 1.000000e+00 : f32
    %jit3A_438 = arith.constant 0.000000e+00 : f32
    %broadcast_in_dim3A_439 = vector.broadcast %jit3A_437 : f32 to vector<784x128xf32>
    %broadcast_in_dim3A_440 = vector.broadcast %jit3A_438 : f32 to vector<784x128xf32>
    %select_n3A_441 = arith.select %eq3A_436, %broadcast_in_dim3A_439, %broadcast_in_dim3A_440 : vector<784x128xi1>, vector<784x128xf32>
    %add3A_442 = arith.addf %add3A_432, %select_n3A_441 : vector<784x128xf32>
    %get3A_443 = arith.constant 43 : index
    %get3A_444 = memref.load %arg2[%get3A_443] : memref<64xi32, #tpu.memory_space<smem>>
    %eq3A_445 = vector.broadcast %get3A_444 : i32 to vector<784x128xi32>
    %eq3A_446 = arith.cmpi eq, %add3A, %eq3A_445 : vector<784x128xi32>
    %jit3A_447 = arith.constant 1.000000e+00 : f32
    %jit3A_448 = arith.constant 0.000000e+00 : f32
    %broadcast_in_dim3A_449 = vector.broadcast %jit3A_447 : f32 to vector<784x128xf32>
    %broadcast_in_dim3A_450 = vector.broadcast %jit3A_448 : f32 to vector<784x128xf32>
    %select_n3A_451 = arith.select %eq3A_446, %broadcast_in_dim3A_449, %broadcast_in_dim3A_450 : vector<784x128xi1>, vector<784x128xf32>
    %add3A_452 = arith.addf %add3A_442, %select_n3A_451 : vector<784x128xf32>
    %get3A_453 = arith.constant 44 : index
    %get3A_454 = memref.load %arg2[%get3A_453] : memref<64xi32, #tpu.memory_space<smem>>
    %eq3A_455 = vector.broadcast %get3A_454 : i32 to vector<784x128xi32>
    %eq3A_456 = arith.cmpi eq, %add3A, %eq3A_455 : vector<784x128xi32>
    %jit3A_457 = arith.constant 1.000000e+00 : f32
    %jit3A_458 = arith.constant 0.000000e+00 : f32
    %broadcast_in_dim3A_459 = vector.broadcast %jit3A_457 : f32 to vector<784x128xf32>
    %broadcast_in_dim3A_460 = vector.broadcast %jit3A_458 : f32 to vector<784x128xf32>
    %select_n3A_461 = arith.select %eq3A_456, %broadcast_in_dim3A_459, %broadcast_in_dim3A_460 : vector<784x128xi1>, vector<784x128xf32>
    %add3A_462 = arith.addf %add3A_452, %select_n3A_461 : vector<784x128xf32>
    %get3A_463 = arith.constant 45 : index
    %get3A_464 = memref.load %arg2[%get3A_463] : memref<64xi32, #tpu.memory_space<smem>>
    %eq3A_465 = vector.broadcast %get3A_464 : i32 to vector<784x128xi32>
    %eq3A_466 = arith.cmpi eq, %add3A, %eq3A_465 : vector<784x128xi32>
    %jit3A_467 = arith.constant 1.000000e+00 : f32
    %jit3A_468 = arith.constant 0.000000e+00 : f32
    %broadcast_in_dim3A_469 = vector.broadcast %jit3A_467 : f32 to vector<784x128xf32>
    %broadcast_in_dim3A_470 = vector.broadcast %jit3A_468 : f32 to vector<784x128xf32>
    %select_n3A_471 = arith.select %eq3A_466, %broadcast_in_dim3A_469, %broadcast_in_dim3A_470 : vector<784x128xi1>, vector<784x128xf32>
    %add3A_472 = arith.addf %add3A_462, %select_n3A_471 : vector<784x128xf32>
    %get3A_473 = arith.constant 46 : index
    %get3A_474 = memref.load %arg2[%get3A_473] : memref<64xi32, #tpu.memory_space<smem>>
    %eq3A_475 = vector.broadcast %get3A_474 : i32 to vector<784x128xi32>
    %eq3A_476 = arith.cmpi eq, %add3A, %eq3A_475 : vector<784x128xi32>
    %jit3A_477 = arith.constant 1.000000e+00 : f32
    %jit3A_478 = arith.constant 0.000000e+00 : f32
    %broadcast_in_dim3A_479 = vector.broadcast %jit3A_477 : f32 to vector<784x128xf32>
    %broadcast_in_dim3A_480 = vector.broadcast %jit3A_478 : f32 to vector<784x128xf32>
    %select_n3A_481 = arith.select %eq3A_476, %broadcast_in_dim3A_479, %broadcast_in_dim3A_480 : vector<784x128xi1>, vector<784x128xf32>
    %add3A_482 = arith.addf %add3A_472, %select_n3A_481 : vector<784x128xf32>
    %get3A_483 = arith.constant 47 : index
    %get3A_484 = memref.load %arg2[%get3A_483] : memref<64xi32, #tpu.memory_space<smem>>
    %eq3A_485 = vector.broadcast %get3A_484 : i32 to vector<784x128xi32>
    %eq3A_486 = arith.cmpi eq, %add3A, %eq3A_485 : vector<784x128xi32>
    %jit3A_487 = arith.constant 1.000000e+00 : f32
    %jit3A_488 = arith.constant 0.000000e+00 : f32
    %broadcast_in_dim3A_489 = vector.broadcast %jit3A_487 : f32 to vector<784x128xf32>
    %broadcast_in_dim3A_490 = vector.broadcast %jit3A_488 : f32 to vector<784x128xf32>
    %select_n3A_491 = arith.select %eq3A_486, %broadcast_in_dim3A_489, %broadcast_in_dim3A_490 : vector<784x128xi1>, vector<784x128xf32>
    %add3A_492 = arith.addf %add3A_482, %select_n3A_491 : vector<784x128xf32>
    %get3A_493 = arith.constant 48 : index
    %get3A_494 = memref.load %arg2[%get3A_493] : memref<64xi32, #tpu.memory_space<smem>>
    %eq3A_495 = vector.broadcast %get3A_494 : i32 to vector<784x128xi32>
    %eq3A_496 = arith.cmpi eq, %add3A, %eq3A_495 : vector<784x128xi32>
    %jit3A_497 = arith.constant 1.000000e+00 : f32
    %jit3A_498 = arith.constant 0.000000e+00 : f32
    %broadcast_in_dim3A_499 = vector.broadcast %jit3A_497 : f32 to vector<784x128xf32>
    %broadcast_in_dim3A_500 = vector.broadcast %jit3A_498 : f32 to vector<784x128xf32>
    %select_n3A_501 = arith.select %eq3A_496, %broadcast_in_dim3A_499, %broadcast_in_dim3A_500 : vector<784x128xi1>, vector<784x128xf32>
    %add3A_502 = arith.addf %add3A_492, %select_n3A_501 : vector<784x128xf32>
    %get3A_503 = arith.constant 49 : index
    %get3A_504 = memref.load %arg2[%get3A_503] : memref<64xi32, #tpu.memory_space<smem>>
    %eq3A_505 = vector.broadcast %get3A_504 : i32 to vector<784x128xi32>
    %eq3A_506 = arith.cmpi eq, %add3A, %eq3A_505 : vector<784x128xi32>
    %jit3A_507 = arith.constant 1.000000e+00 : f32
    %jit3A_508 = arith.constant 0.000000e+00 : f32
    %broadcast_in_dim3A_509 = vector.broadcast %jit3A_507 : f32 to vector<784x128xf32>
    %broadcast_in_dim3A_510 = vector.broadcast %jit3A_508 : f32 to vector<784x128xf32>
    %select_n3A_511 = arith.select %eq3A_506, %broadcast_in_dim3A_509, %broadcast_in_dim3A_510 : vector<784x128xi1>, vector<784x128xf32>
    %add3A_512 = arith.addf %add3A_502, %select_n3A_511 : vector<784x128xf32>
    %get3A_513 = arith.constant 50 : index
    %get3A_514 = memref.load %arg2[%get3A_513] : memref<64xi32, #tpu.memory_space<smem>>
    %eq3A_515 = vector.broadcast %get3A_514 : i32 to vector<784x128xi32>
    %eq3A_516 = arith.cmpi eq, %add3A, %eq3A_515 : vector<784x128xi32>
    %jit3A_517 = arith.constant 1.000000e+00 : f32
    %jit3A_518 = arith.constant 0.000000e+00 : f32
    %broadcast_in_dim3A_519 = vector.broadcast %jit3A_517 : f32 to vector<784x128xf32>
    %broadcast_in_dim3A_520 = vector.broadcast %jit3A_518 : f32 to vector<784x128xf32>
    %select_n3A_521 = arith.select %eq3A_516, %broadcast_in_dim3A_519, %broadcast_in_dim3A_520 : vector<784x128xi1>, vector<784x128xf32>
    %add3A_522 = arith.addf %add3A_512, %select_n3A_521 : vector<784x128xf32>
    %get3A_523 = arith.constant 51 : index
    %get3A_524 = memref.load %arg2[%get3A_523] : memref<64xi32, #tpu.memory_space<smem>>
    %eq3A_525 = vector.broadcast %get3A_524 : i32 to vector<784x128xi32>
    %eq3A_526 = arith.cmpi eq, %add3A, %eq3A_525 : vector<784x128xi32>
    %jit3A_527 = arith.constant 1.000000e+00 : f32
    %jit3A_528 = arith.constant 0.000000e+00 : f32
    %broadcast_in_dim3A_529 = vector.broadcast %jit3A_527 : f32 to vector<784x128xf32>
    %broadcast_in_dim3A_530 = vector.broadcast %jit3A_528 : f32 to vector<784x128xf32>
    %select_n3A_531 = arith.select %eq3A_526, %broadcast_in_dim3A_529, %broadcast_in_dim3A_530 : vector<784x128xi1>, vector<784x128xf32>
    %add3A_532 = arith.addf %add3A_522, %select_n3A_531 : vector<784x128xf32>
    %get3A_533 = arith.constant 52 : index
    %get3A_534 = memref.load %arg2[%get3A_533] : memref<64xi32, #tpu.memory_space<smem>>
    %eq3A_535 = vector.broadcast %get3A_534 : i32 to vector<784x128xi32>
    %eq3A_536 = arith.cmpi eq, %add3A, %eq3A_535 : vector<784x128xi32>
    %jit3A_537 = arith.constant 1.000000e+00 : f32
    %jit3A_538 = arith.constant 0.000000e+00 : f32
    %broadcast_in_dim3A_539 = vector.broadcast %jit3A_537 : f32 to vector<784x128xf32>
    %broadcast_in_dim3A_540 = vector.broadcast %jit3A_538 : f32 to vector<784x128xf32>
    %select_n3A_541 = arith.select %eq3A_536, %broadcast_in_dim3A_539, %broadcast_in_dim3A_540 : vector<784x128xi1>, vector<784x128xf32>
    %add3A_542 = arith.addf %add3A_532, %select_n3A_541 : vector<784x128xf32>
    %get3A_543 = arith.constant 53 : index
    %get3A_544 = memref.load %arg2[%get3A_543] : memref<64xi32, #tpu.memory_space<smem>>
    %eq3A_545 = vector.broadcast %get3A_544 : i32 to vector<784x128xi32>
    %eq3A_546 = arith.cmpi eq, %add3A, %eq3A_545 : vector<784x128xi32>
    %jit3A_547 = arith.constant 1.000000e+00 : f32
    %jit3A_548 = arith.constant 0.000000e+00 : f32
    %broadcast_in_dim3A_549 = vector.broadcast %jit3A_547 : f32 to vector<784x128xf32>
    %broadcast_in_dim3A_550 = vector.broadcast %jit3A_548 : f32 to vector<784x128xf32>
    %select_n3A_551 = arith.select %eq3A_546, %broadcast_in_dim3A_549, %broadcast_in_dim3A_550 : vector<784x128xi1>, vector<784x128xf32>
    %add3A_552 = arith.addf %add3A_542, %select_n3A_551 : vector<784x128xf32>
    %get3A_553 = arith.constant 54 : index
    %get3A_554 = memref.load %arg2[%get3A_553] : memref<64xi32, #tpu.memory_space<smem>>
    %eq3A_555 = vector.broadcast %get3A_554 : i32 to vector<784x128xi32>
    %eq3A_556 = arith.cmpi eq, %add3A, %eq3A_555 : vector<784x128xi32>
    %jit3A_557 = arith.constant 1.000000e+00 : f32
    %jit3A_558 = arith.constant 0.000000e+00 : f32
    %broadcast_in_dim3A_559 = vector.broadcast %jit3A_557 : f32 to vector<784x128xf32>
    %broadcast_in_dim3A_560 = vector.broadcast %jit3A_558 : f32 to vector<784x128xf32>
    %select_n3A_561 = arith.select %eq3A_556, %broadcast_in_dim3A_559, %broadcast_in_dim3A_560 : vector<784x128xi1>, vector<784x128xf32>
    %add3A_562 = arith.addf %add3A_552, %select_n3A_561 : vector<784x128xf32>
    %get3A_563 = arith.constant 55 : index
    %get3A_564 = memref.load %arg2[%get3A_563] : memref<64xi32, #tpu.memory_space<smem>>
    %eq3A_565 = vector.broadcast %get3A_564 : i32 to vector<784x128xi32>
    %eq3A_566 = arith.cmpi eq, %add3A, %eq3A_565 : vector<784x128xi32>
    %jit3A_567 = arith.constant 1.000000e+00 : f32
    %jit3A_568 = arith.constant 0.000000e+00 : f32
    %broadcast_in_dim3A_569 = vector.broadcast %jit3A_567 : f32 to vector<784x128xf32>
    %broadcast_in_dim3A_570 = vector.broadcast %jit3A_568 : f32 to vector<784x128xf32>
    %select_n3A_571 = arith.select %eq3A_566, %broadcast_in_dim3A_569, %broadcast_in_dim3A_570 : vector<784x128xi1>, vector<784x128xf32>
    %add3A_572 = arith.addf %add3A_562, %select_n3A_571 : vector<784x128xf32>
    %get3A_573 = arith.constant 56 : index
    %get3A_574 = memref.load %arg2[%get3A_573] : memref<64xi32, #tpu.memory_space<smem>>
    %eq3A_575 = vector.broadcast %get3A_574 : i32 to vector<784x128xi32>
    %eq3A_576 = arith.cmpi eq, %add3A, %eq3A_575 : vector<784x128xi32>
    %jit3A_577 = arith.constant 1.000000e+00 : f32
    %jit3A_578 = arith.constant 0.000000e+00 : f32
    %broadcast_in_dim3A_579 = vector.broadcast %jit3A_577 : f32 to vector<784x128xf32>
    %broadcast_in_dim3A_580 = vector.broadcast %jit3A_578 : f32 to vector<784x128xf32>
    %select_n3A_581 = arith.select %eq3A_576, %broadcast_in_dim3A_579, %broadcast_in_dim3A_580 : vector<784x128xi1>, vector<784x128xf32>
    %add3A_582 = arith.addf %add3A_572, %select_n3A_581 : vector<784x128xf32>
    %get3A_583 = arith.constant 57 : index
    %get3A_584 = memref.load %arg2[%get3A_583] : memref<64xi32, #tpu.memory_space<smem>>
    %eq3A_585 = vector.broadcast %get3A_584 : i32 to vector<784x128xi32>
    %eq3A_586 = arith.cmpi eq, %add3A, %eq3A_585 : vector<784x128xi32>
    %jit3A_587 = arith.constant 1.000000e+00 : f32
    %jit3A_588 = arith.constant 0.000000e+00 : f32
    %broadcast_in_dim3A_589 = vector.broadcast %jit3A_587 : f32 to vector<784x128xf32>
    %broadcast_in_dim3A_590 = vector.broadcast %jit3A_588 : f32 to vector<784x128xf32>
    %select_n3A_591 = arith.select %eq3A_586, %broadcast_in_dim3A_589, %broadcast_in_dim3A_590 : vector<784x128xi1>, vector<784x128xf32>
    %add3A_592 = arith.addf %add3A_582, %select_n3A_591 : vector<784x128xf32>
    %get3A_593 = arith.constant 58 : index
    %get3A_594 = memref.load %arg2[%get3A_593] : memref<64xi32, #tpu.memory_space<smem>>
    %eq3A_595 = vector.broadcast %get3A_594 : i32 to vector<784x128xi32>
    %eq3A_596 = arith.cmpi eq, %add3A, %eq3A_595 : vector<784x128xi32>
    %jit3A_597 = arith.constant 1.000000e+00 : f32
    %jit3A_598 = arith.constant 0.000000e+00 : f32
    %broadcast_in_dim3A_599 = vector.broadcast %jit3A_597 : f32 to vector<784x128xf32>
    %broadcast_in_dim3A_600 = vector.broadcast %jit3A_598 : f32 to vector<784x128xf32>
    %select_n3A_601 = arith.select %eq3A_596, %broadcast_in_dim3A_599, %broadcast_in_dim3A_600 : vector<784x128xi1>, vector<784x128xf32>
    %add3A_602 = arith.addf %add3A_592, %select_n3A_601 : vector<784x128xf32>
    %get3A_603 = arith.constant 59 : index
    %get3A_604 = memref.load %arg2[%get3A_603] : memref<64xi32, #tpu.memory_space<smem>>
    %eq3A_605 = vector.broadcast %get3A_604 : i32 to vector<784x128xi32>
    %eq3A_606 = arith.cmpi eq, %add3A, %eq3A_605 : vector<784x128xi32>
    %jit3A_607 = arith.constant 1.000000e+00 : f32
    %jit3A_608 = arith.constant 0.000000e+00 : f32
    %broadcast_in_dim3A_609 = vector.broadcast %jit3A_607 : f32 to vector<784x128xf32>
    %broadcast_in_dim3A_610 = vector.broadcast %jit3A_608 : f32 to vector<784x128xf32>
    %select_n3A_611 = arith.select %eq3A_606, %broadcast_in_dim3A_609, %broadcast_in_dim3A_610 : vector<784x128xi1>, vector<784x128xf32>
    %add3A_612 = arith.addf %add3A_602, %select_n3A_611 : vector<784x128xf32>
    %get3A_613 = arith.constant 60 : index
    %get3A_614 = memref.load %arg2[%get3A_613] : memref<64xi32, #tpu.memory_space<smem>>
    %eq3A_615 = vector.broadcast %get3A_614 : i32 to vector<784x128xi32>
    %eq3A_616 = arith.cmpi eq, %add3A, %eq3A_615 : vector<784x128xi32>
    %jit3A_617 = arith.constant 1.000000e+00 : f32
    %jit3A_618 = arith.constant 0.000000e+00 : f32
    %broadcast_in_dim3A_619 = vector.broadcast %jit3A_617 : f32 to vector<784x128xf32>
    %broadcast_in_dim3A_620 = vector.broadcast %jit3A_618 : f32 to vector<784x128xf32>
    %select_n3A_621 = arith.select %eq3A_616, %broadcast_in_dim3A_619, %broadcast_in_dim3A_620 : vector<784x128xi1>, vector<784x128xf32>
    %add3A_622 = arith.addf %add3A_612, %select_n3A_621 : vector<784x128xf32>
    %get3A_623 = arith.constant 61 : index
    %get3A_624 = memref.load %arg2[%get3A_623] : memref<64xi32, #tpu.memory_space<smem>>
    %eq3A_625 = vector.broadcast %get3A_624 : i32 to vector<784x128xi32>
    %eq3A_626 = arith.cmpi eq, %add3A, %eq3A_625 : vector<784x128xi32>
    %jit3A_627 = arith.constant 1.000000e+00 : f32
    %jit3A_628 = arith.constant 0.000000e+00 : f32
    %broadcast_in_dim3A_629 = vector.broadcast %jit3A_627 : f32 to vector<784x128xf32>
    %broadcast_in_dim3A_630 = vector.broadcast %jit3A_628 : f32 to vector<784x128xf32>
    %select_n3A_631 = arith.select %eq3A_626, %broadcast_in_dim3A_629, %broadcast_in_dim3A_630 : vector<784x128xi1>, vector<784x128xf32>
    %add3A_632 = arith.addf %add3A_622, %select_n3A_631 : vector<784x128xf32>
    %get3A_633 = arith.constant 62 : index
    %get3A_634 = memref.load %arg2[%get3A_633] : memref<64xi32, #tpu.memory_space<smem>>
    %eq3A_635 = vector.broadcast %get3A_634 : i32 to vector<784x128xi32>
    %eq3A_636 = arith.cmpi eq, %add3A, %eq3A_635 : vector<784x128xi32>
    %jit3A_637 = arith.constant 1.000000e+00 : f32
    %jit3A_638 = arith.constant 0.000000e+00 : f32
    %broadcast_in_dim3A_639 = vector.broadcast %jit3A_637 : f32 to vector<784x128xf32>
    %broadcast_in_dim3A_640 = vector.broadcast %jit3A_638 : f32 to vector<784x128xf32>
    %select_n3A_641 = arith.select %eq3A_636, %broadcast_in_dim3A_639, %broadcast_in_dim3A_640 : vector<784x128xi1>, vector<784x128xf32>
    %add3A_642 = arith.addf %add3A_632, %select_n3A_641 : vector<784x128xf32>
    %get3A_643 = arith.constant 63 : index
    %get3A_644 = memref.load %arg2[%get3A_643] : memref<64xi32, #tpu.memory_space<smem>>
    %eq3A_645 = vector.broadcast %get3A_644 : i32 to vector<784x128xi32>
    %eq3A_646 = arith.cmpi eq, %add3A, %eq3A_645 : vector<784x128xi32>
    %jit3A_647 = arith.constant 1.000000e+00 : f32
    %jit3A_648 = arith.constant 0.000000e+00 : f32
    %broadcast_in_dim3A_649 = vector.broadcast %jit3A_647 : f32 to vector<784x128xf32>
    %broadcast_in_dim3A_650 = vector.broadcast %jit3A_648 : f32 to vector<784x128xf32>
    %select_n3A_651 = arith.select %eq3A_646, %broadcast_in_dim3A_649, %broadcast_in_dim3A_650 : vector<784x128xi1>, vector<784x128xf32>
    %add3A_652 = arith.addf %add3A_642, %select_n3A_651 : vector<784x128xf32>
    %lt3A = arith.constant 100000 : i32
    %lt3A_653 = vector.broadcast %lt3A : i32 to vector<784x128xi32>
    %lt3A_654 = arith.cmpi slt, %add3A, %lt3A_653 : vector<784x128xi32>
    %gt3A = arith.constant 0.000000e+00 : f32
    %gt3A_655 = vector.broadcast %gt3A : f32 to vector<784x128xf32>
    %gt3A_656 = arith.cmpf ogt, %get3A_3, %gt3A_655 : vector<784x128xf32>
    %gt3A_657 = arith.constant 0.000000e+00 : f32
    %gt3A_658 = vector.broadcast %gt3A_657 : f32 to vector<784x128xf32>
    %gt3A_659 = arith.cmpf ogt, %get3A_8, %gt3A_658 : vector<784x128xf32>
    %or3A = arith.ori %gt3A_656, %gt3A_659 : vector<784x128xi1>
    %and3A = arith.andi %or3A, %lt3A_654 : vector<784x128xi1>
    %eq3A_660 = arith.constant 0.000000e+00 : f32
    %eq3A_661 = vector.broadcast %eq3A_660 : f32 to vector<784x128xf32>
    %eq3A_662 = arith.cmpf oeq, %add3A_652, %eq3A_661 : vector<784x128xf32>
    %and3A_663 = arith.andi %and3A, %eq3A_662 : vector<784x128xi1>
    %max3A = arith.constant 0.000000e+00 : f32
    %max3A_664 = vector.broadcast %max3A : f32 to vector<784x128xf32>
    %max3A_665 = arith.maximumf %get3A_14, %max3A_664 : vector<784x128xf32>
    %abs3A = math.absf %get3A_14 : vector<784x128xf32>
    %neg3A = arith.constant 0.000000e+00 : f32
    %neg3A_666 = vector.broadcast %neg3A : f32 to vector<784x128xf32>
    %neg3A_667 = arith.subf %neg3A_666, %abs3A : vector<784x128xf32>
    %exp3A = math.exp %neg3A_667 : vector<784x128xf32>
    %log1p3A = math.log1p %exp3A : vector<784x128xf32>
    %add3A_668 = arith.addf %max3A_665, %log1p3A : vector<784x128xf32>
    %sub3A = arith.subf %add3A_668, %get3A_14 : vector<784x128xf32>
    %jit3A_669 = arith.constant 0.000000e+00 : f32
    %broadcast_in_dim3A_670 = vector.broadcast %jit3A_669 : f32 to vector<784x128xf32>
    %select_n3A_671 = arith.select %and3A_663, %add3A_668, %broadcast_in_dim3A_670 : vector<784x128xi1>, vector<784x128xf32>
    %reduce_sum3A = vector.shape_cast %select_n3A_671 : vector<784x128xf32> to vector<1x784x128xf32>
    %reduce_sum3A_672 = arith.constant dense<0.000000e+00> : vector<1xf32>
    %reduce_sum3A_673 = vector.multi_reduction <add>, %reduce_sum3A, %reduce_sum3A_672 [1, 2] : vector<1x784x128xf32> to vector<1xf32>
    %reduce_sum3A_674 = vector.shape_cast %reduce_sum3A_673 : vector<1xf32> to vector<1x1x1xf32>
    %reduce_sum3A_675 = vector.extract %reduce_sum3A_674[0, 0, 0] : f32 from vector<1x1x1xf32>
    %jit3A_676 = arith.constant 1.000000e+00 : f32
    %jit3A_677 = arith.constant 0.000000e+00 : f32
    %broadcast_in_dim3A_678 = vector.broadcast %jit3A_676 : f32 to vector<784x128xf32>
    %broadcast_in_dim3A_679 = vector.broadcast %jit3A_677 : f32 to vector<784x128xf32>
    %select_n3A_680 = arith.select %and3A_663, %broadcast_in_dim3A_678, %broadcast_in_dim3A_679 : vector<784x128xi1>, vector<784x128xf32>
    %reduce_sum3A_681 = vector.shape_cast %select_n3A_680 : vector<784x128xf32> to vector<1x784x128xf32>
    %reduce_sum3A_682 = arith.constant dense<0.000000e+00> : vector<1xf32>
    %reduce_sum3A_683 = vector.multi_reduction <add>, %reduce_sum3A_681, %reduce_sum3A_682 [1, 2] : vector<1x784x128xf32> to vector<1xf32>
    %reduce_sum3A_684 = vector.shape_cast %reduce_sum3A_683 : vector<1xf32> to vector<1x1x1xf32>
    %reduce_sum3A_685 = vector.extract %reduce_sum3A_684[0, 0, 0] : f32 from vector<1x1x1xf32>
    %mul3A_686 = arith.mulf %add3A_652, %add3A_668 : vector<784x128xf32>
    %reduce_sum3A_687 = vector.shape_cast %mul3A_686 : vector<784x128xf32> to vector<1x784x128xf32>
    %reduce_sum3A_688 = arith.constant dense<0.000000e+00> : vector<1xf32>
    %reduce_sum3A_689 = vector.multi_reduction <add>, %reduce_sum3A_687, %reduce_sum3A_688 [1, 2] : vector<1x784x128xf32> to vector<1xf32>
    %reduce_sum3A_690 = vector.shape_cast %reduce_sum3A_689 : vector<1xf32> to vector<1x1x1xf32>
    %reduce_sum3A_691 = vector.extract %reduce_sum3A_690[0, 0, 0] : f32 from vector<1x1x1xf32>
    %mul3A_692 = arith.mulf %add3A_652, %sub3A : vector<784x128xf32>
    %reduce_sum3A_693 = vector.shape_cast %mul3A_692 : vector<784x128xf32> to vector<1x784x128xf32>
    %reduce_sum3A_694 = arith.constant dense<0.000000e+00> : vector<1xf32>
    %reduce_sum3A_695 = vector.multi_reduction <add>, %reduce_sum3A_693, %reduce_sum3A_694 [1, 2] : vector<1x784x128xf32> to vector<1xf32>
    %reduce_sum3A_696 = vector.shape_cast %reduce_sum3A_695 : vector<1xf32> to vector<1x1x1xf32>
    %reduce_sum3A_697 = vector.extract %reduce_sum3A_696[0, 0, 0] : f32 from vector<1x1x1xf32>
    %mul3A_698 = arith.constant 2.500000e-01 : f32
    %mul3A_699 = arith.mulf %mul3A_698, %reduce_sum3A_697 : f32
    %div3A = arith.constant 6.400000e+01 : f32
    %div3A_700 = arith.divf %mul3A_699, %div3A : f32
    %div3A_701 = arith.divf %reduce_sum3A_675, %reduce_sum3A_685 : f32
    %mul3A_702 = arith.constant 2.500000e-01 : f32
    %mul3A_703 = arith.mulf %mul3A_702, %reduce_sum3A_691 : f32
    %div3A_704 = arith.constant 6.400000e+01 : f32
    %div3A_705 = arith.divf %mul3A_703, %div3A_704 : f32
    %sub3A_706 = arith.subf %div3A_701, %div3A_705 : f32
    %max3A_707 = arith.constant 0.000000e+00 : f32
    %max3A_708 = arith.maximumf %sub3A_706, %max3A_707 : f32
    %add3A_709 = arith.addf %div3A_700, %max3A_708 : f32
    %swap3A = arith.constant 0 : index
    %swap3A_710 = arith.constant 0 : index
    %swap3A_711 = memref.load %arg3[%swap3A, %swap3A_710] : memref<1x1xf32, #tpu.memory_space<smem>>
    memref.store %add3A_709, %arg3[%swap3A, %swap3A_710] : memref<1x1xf32, #tpu.memory_space<smem>>
    return
  }
}

</mosaic_0001>

<sc_bundles>
// kernel: kernel.4.cloned.1.call-start
scs
__scs_entry_jumppad:
0x0: {  	(pc) =	sbr.rel $0x88, $3  }
0x1: {  	(tag) =	ssettag $0x0;
	lr =	simm.s32 $0x1  }
0x2: {  	[smem:$0x3F9E] =	sst lr;
	_ =	strace $0xD0000000  }
0x3: {  	_ = 	snop  }
0x4: {  	_ = 	snop  }
0x5: {  	_ = 	snop  }
0x6: {  	_ = 	snop  }
0x7: {  	_ = 	snop  }
__scs_overlays_trampoline_lowered:
0x8: {  	[smem:$0x3FAD] =	sst s0  }
0x9: {  	[smem:$0x3FAE] =	sst s1  }
0xa: {  	[smem:$0x3FAF] =	sst s2  }
0xb: {  	[smem:$0x3FB0] =	sst s3  }
0xc: {  	[smem:$0x3FB1] =	sst s4  }
0xd: {  	[smem:$0x3FB2] =	sst s5  }
0xe: {  	[smem:$0x3FB3] =	sst s6  }
0xf: {  	[smem:$0x3FB4] =	sst s7  }
0x10: {  	[smem:$0x3FB5] =	sst s8  }
0x11: {  	[smem:$0x3FB6] =	sst s9;
	s0 =	simm.s32 @!p0 $0x0  }
0x12: {  	s1 =	sld [smem:$0x3F9C];
	s0 =	simm.s32 @p0 $0x1  }
0x13: {  	[smem:$0x3FB7] =	sst s0;
	s0 =	simm.s32 @!p1 $0x0  }
0x14: {  	s2 =	sld [smem:$0x3F9B];
	s0 =	simm.s32 @p1 $0x1  }
0x15: {  	[smem:$0x3FB8] =	sst s0;
	s0 =	simm.s32 @!p2 $0x0  }
0x16: {  	s3 =	sld [smem:$0x3FDB];
	s0 =	simm.s32 @p2 $0x1  }
0x17: {  	s4 =	simm.s32 $0x1BF5;
	[smem:$0x3FBA] =	sst s0  }
0x18: {  	s0 =	sld [smem:$0x3F9D];
	_ =	swait.ge [sflag:s4], $0x0  }
0x19: {  	s7 =	sld [smem:$0x3F9E]  }
0x1a: {  	s8 =	sadd.s32 $0xFFFFE003, lr  }
0x1b: {  	s9 =	sadd.s32 $0xFFFFFEF7, lr;
	s5 =	simm.s32 $0xFFFFFFFF;
	p2 =	slt.u32 s8, $0xFFFFF086  }
0x1c: {  	p1 =	slt.u32 s9, $0xF7A;
	s5 =	simm.s32 @!p2 $0x0  }
0x1d: {  	s5 =	simm.s32 @p1 $0x1;
	p0 =	seq.s32 s7, s2  }
0x1e: {  	s7 =	smul.u32 @!p0 $0xF7A, s2;
	p2 =	seq.s32 @!p0 s5, $0x0  }
0x1f: {  	s9 =	smul.u32 $0xF7A, s1;
	s8 =	simm.s32 @!p0 $0x1BF5;
	p2 =	por !p2, p0  }
0x20: {  	[sflag:s8] =	ssyncset.s32 @!p0 $0xFFFFF086;
	s6 =	sadd.s32 @!p0 s3, s7;
	s7 =	simm.s32 @!p0 $0x108  }
0x21: {  	s3 =	sadd.s32 s3, s9;
	s6 =	sadd.s32 @!p0 $0x88, s6;
	s7 =	simm.s32 @p2 $0x1082  }
0x22: {  	[simem:s7], [sflag:s8] =	dma.local @!p0 [hbm:s6], $0xF7A  }
0x23: {  	s9 =	sor.u32 $0xD0000000, s2;
	s6 =	simm.s32 $0x108;
	_ =	swait.ge @!p0 [sflag:s8], $0x0  }
0x24: {  	s3 =	sadd.s32 $0x88, s3;
	s6 =	simm.s32 @!p1 $0x1082;
	[sflag:s4] =	ssyncset.s32 $0xFFFFF086  }
0x25: {  	[simem:s6], [sflag:s4] =	dma.local [hbm:s3], $0xF7A  }
0x26: {  	[smem:$0x3F9E] =	sst s1;
	(tag) =	ssettag s2;
	_ =	strace s9  }
0x27: {  	s1 =	sld [smem:$0x3FAE]  }
0x28: {  	s2 =	sld [smem:$0x3FAF]  }
0x29: {  	s4 =	sld [smem:$0x3FB1]  }
0x2a: {  	p0 =	seq.s32 s5, $0x0;
	s5 =	sld [smem:$0x3FB2]  }
0x2b: {  	s6 =	sld [smem:$0x3FB3]  }
0x2c: {  	s7 =	sld [smem:$0x3FB4]  }
0x2d: {  	s3 =	simm.s32 $0x108;
	s8 =	sld [smem:$0x3FB5]  }
0x2e: {  	s3 =	simm.s32 @!p0 $0x1082;
	s9 =	sld [smem:$0x3FB6]  }
0x2f: {  	lr =	sadd.s32 s0, s3;
	s0 =	sld [smem:$0x3FAD]  }
0x30: {  	s3 =	sld [smem:$0x3FB0]  }
0x31: {  	[smem:$0x3FB9] =	sst s10  }
0x32: {  	s10 =	sld [smem:$0x3FB7];
	_ =	sdelay $0x3  }
0x33: {  	p0 =	seq.s32 s10, $0x1;
	s10 =	sld [smem:$0x3FB9];
	_ =	sdelay $0x3  }
0x34: {  	[smem:$0x3FB9] =	sst s10  }
0x35: {  	s10 =	sld [smem:$0x3FB8];
	_ =	sdelay $0x3  }
0x36: {  	p1 =	seq.s32 s10, $0x1;
	s10 =	sld [smem:$0x3FB9];
	_ =	sdelay $0x3  }
0x37: {  	[smem:$0x3FB9] =	sst s10  }
0x38: {  	s10 =	sld [smem:$0x3FBA]  }
0x39: {  	_ = 	snop;
	(pc) =	sbr.ind lr, $3  }
0x3a: {  	_ = 	snop  }
0x3b: {  	_ = 	snop  }
0x3c: {  	p2 =	seq.s32 s10, $0x1;
	s10 =	sld [smem:$0x3FB9]  }
0x3d: {  	_ =	shalt  }
0x3e: {  	_ =	shalt  }
0x3f: {  	_ =	shalt  }
0x40: {  	_ =	shalt  }
0x41: {  	_ =	shalt  }
0x42: {  	_ =	shalt  }
0x43: {  	_ =	shalt  }
0x44: {  	_ =	shalt  }
0x45: {  	_ =	shalt  }
0x46: {  	_ =	shalt  }
0x47: {  	_ =	shalt  }
0x48: {  	_ =	shalt  }
0x49: {  	_ =	shalt  }
0x4a: {  	_ =	shalt  }
0x4b: {  	_ =	shalt  }
0x4c: {  	_ =	shalt  }
0x4d: {  	_ =	shalt  }
0x4e: {  	_ =	shalt  }
0x4f: {  	_ =	shalt  }
0x50: {  	_ =	shalt  }
0x51: {  	_ =	shalt  }
0x52: {  	_ =	shalt  }
0x53: {  	_ =	shalt  }
0x54: {  	_ =	shalt  }
0x55: {  	_ =	shalt  }
0x56: {  	_ =	shalt  }
0x57: {  	_ =	shalt  }
0x58: {  	_ =	shalt  }
0x59: {  	_ =	shalt  }
0x5a: {  	_ =	shalt  }
0x5b: {  	_ =	shalt  }
0x5c: {  	_ =	shalt  }
0x5d: {  	_ =	shalt  }
0x5e: {  	_ =	shalt  }
0x5f: {  	_ =	shalt  }
0x60: {  	_ =	shalt  }
0x61: {  	_ =	shalt  }
0x62: {  	_ =	shalt  }
0x63: {  	_ =	shalt  }
0x64: {  	_ =	shalt  }
0x65: {  	_ =	shalt  }
0x66: {  	_ =	shalt  }
0x67: {  	_ =	shalt  }
0x68: {  	_ =	shalt  }
0x69: {  	_ =	shalt  }
0x6a: {  	_ =	shalt  }
0x6b: {  	_ =	shalt  }
0x6c: {  	_ =	shalt  }
0x6d: {  	_ =	shalt  }
0x6e: {  	_ =	shalt  }
0x6f: {  	_ =	shalt  }
0x70: {  	_ =	shalt  }
0x71: {  	_ =	shalt  }
0x72: {  	_ =	shalt  }
0x73: {  	_ =	shalt  }
0x74: {  	_ =	shalt  }
0x75: {  	_ =	shalt  }
0x76: {  	_ =	shalt  }
0x77: {  	_ =	shalt  }
0x78: {  	_ =	shalt  }
0x79: {  	_ =	shalt  }
0x7a: {  	_ =	shalt  }
0x7b: {  	_ =	shalt  }
0x7c: {  	_ =	shalt  }
0x7d: {  	_ =	shalt  }
0x7e: {  	_ =	shalt  }
0x7f: {  	_ =	shalt  }
0x80: {  	_ =	shalt  }
0x81: {  	_ =	shalt  }
0x82: {  	_ =	shalt  }
0x83: {  	_ =	shalt  }
0x84: {  	_ =	shalt  }
0x85: {  	_ =	shalt  }
0x86: {  	_ =	shalt  }
0x87: {  	_ =	shalt  }
.Lfunc_end0:
.L_simem_size_0:
called_computation_lowered:
.L_overlay_start_0:
0x88: {  	s2 =	sld [smem:$0x3FD9]  }
0x89: {  	s3 =	sld [smem:$0x3FFE];
	_ =	sdelay $0x1  }
0x8a: {  	s1 =	srdreg.scid  }
0x8b: {  	s0 =	sand.u32 $0x1, s1  }
0x8c: {  	s16 =	sshll.u32 s0, $0xA;
	s2 =	sadd.s32 s3, s2  }
0x8d: {  	s2 =	sadd.s32 s2, s16  }
0x8e: {  	[smem:$0x3FC5] =	sst s2  }
0x8f: {  	_ = 	snop  }
0x90: {  	(tm) =	ssettm $0x1  }
0x91: {  	s17 =	sld [smem:$0x3FFB];
	_ =	sdelay $0x3  }
0x92: {  	_ =	strace s17  }
0x93: {  	s2 =	sld [smem:$0x3FFC];
	_ =	sdelay $0x3  }
0x94: {  	_ =	strace s2  }
0x95: {  	s2 =	sld [smem:$0x3FFD];
	_ =	sdelay $0x3  }
0x96: {  	_ =	strace s2  }
0x97: {  	_ =	strace $0x8FFFFFFF  }
0x98: {  	s18 =	sld [smem:$0x3FDB];
	_ =	sdelay $0x1  }
0x99: {  	s19 =	simm.s32 $_scs_section_size  }
0x9a: {  	s4 =	simm.s32 $_size__tile_overlayer_lowered;
	s5 =	simm.s32 $_tile_overlayer_lowered  }
0x9b: {  	s22 =	simm.s32 $0x1BFF;
	s21 =	sshll.u32 s5, $0x1;
	s2 =	sadd.s32 s19, s18  }
0x9c: {  	s6 =	simm.s32 $0x0;
	s20 =	sshll.u32 s4, $0x1;
	s4 =	sadd.s32 s21, s2  }
0x9d: {  	[timem:s6], [sflag:s22] =	dma.local [hbm:s4], s20  }
0x9e: {  	_ =	swait.ge [sflag:s22], s20  }
0x9f: {  	s3 =	ssub.s32 $0x0, s20;
	[sflag:s22] =	ssyncset.done $0x0  }
0xa0: {  	[sflag:s22] =	ssyncadd.s32 s3;
	_ =	sdelay $0x1  }
0xa1: {  	s23 =	simm.s32 $0x1B8B  }
0xa2: {  	_ =	swait.ge [sflag:s23], $0x1  }
0xa3: {  	[sflag:s23] =	ssyncset.done $0x0  }
0xa4: {  	s25 =	simm.s32 $0x1B8E;
	s24 =	sld [smem:$0x3FFE];
	[sflag:s23] =	ssyncadd.s32 $0xFFFFFFFF  }
0xa5: {  	s26 =	simm.s32 $execute0_lowered;
	[smem:$0x3FD2] =	sst s25  }
0xa6: {  	s4 =	sshll.u32 s26, $0x1;
	_ =	strace $0x80000046;
	[dreg:$0x1] =	wrdreg $0xFFFFFFFF  }
0xa7: {  	s28 =	simm.s32 $_size_execute0_lowered;
	s2 =	sadd.s32 s2, s4;
	[dreg:$0x0] =	wrdreg $0x0  }
0xa8: {  	s4 =	sshll.u32 s28, $0x1;
	[dreg:$0x2] =	wrdreg s2  }
0xa9: {  	[dreg:$0x3] =	wrdreg s4  }
0xaa: {  	[dreg:$0x4] =	wrdreg $0xC0  }
0xab: {  	_ =	task [dreg:s6], $0x5FFFF  }
0xac: {  	[dreg:$0x1] =	wrdreg $0xFFFFFFFF  }
0xad: {  	[dreg:$0x0] =	wrdreg $0x60  }
0xae: {  	[dreg:$0x2] =	wrdreg s24  }
0xaf: {  	[dreg:$0x3] =	wrdreg $0x1E0000  }
0xb0: {  	[dreg:$0x4] =	wrdreg $0x9  }
0xb1: {  	_ =	task.clear_ibuf [dreg:s6], $0x5FFFF;
	_ =	strace $0x90000046  }
0xb2: {  	s29 =	simm.s32 $0x9;
	_ =	strace $0x80000048  }
0xb3: {  	_ =	swait.ge [sflag:s29], $0x1  }
0xb4: {  	[sflag:s29] =	ssyncadd.s32 $0xFFFFFFFF  }
0xb5: {  	_ =	strace $0x90000048  }
0xb6: {  	_ =	sfence  }
0xb7: {  	s30 =	sld [smem:$0x0];
	_ =	sdelay $0x2  }
0xb8: {  	s31 =	sshll.u32 s1, $0xD;
	s1 =	sshrl.u32 s1, $0x2  }
0xb9: {  	s3 =	sand.u32 $0x4000, s31;
	s1 =	sadd.s32 s1, s30  }
0xba: {  	s0 =	sor.u32 s3, s0;
	s1 =	sshll.u32 s1, $0x11  }
0xbb: {  	s0 =	sor.u32 s1, s0  }
0xbc: {  	s0 =	sadd.s32 $0x8F2B, s0  }
0xbd: {  	[sflag:s0] =	ssyncadd.remote.s32 $0x1  }
0xbe: {  	_ =	sfence.sel $0xFFFF  }
0xbf: {  	[dreg:$0x0] =	wrdreg $0xFFFFFFFF;
	(pc) =	sbr.abs _section_cstart, $3  }
0xc0: {  	[dreg:$0x1] =	wrdreg $0xFFFFFFFF  }
0xc1: {  	_ =	task.clear_ibuf [dreg:s6], $0x2FFFF;
	_ =	strace $0x9FFFFFFF  }
0xc2: {  	(tm) =	ssettm $0x7FFFFFFF  }
0xc3: {  	_ =	shalt  }
tec
execute0_lowered:
.L_overlay_start_1:
0x0: {  	(tag) =	ssettag $0x1  }
0x1: {  	s15 =	rddreg [dreg:$0x0]  }
0x2: {  	s2 =	rddreg [dreg:$0x1]  }
0x3: {  	s0 =	stileid.u32;
	s1 =	rddreg [dreg:$0x2]  }
0x4: {  	s3 =	simm.s32 $0x0;
	s4 =	srdreg.scid;
	s16 =	smul.u32 $0x1880, s0  }
0x5: {  	[smem:$0x7FF] =	sst s3;
	s17 =	sand.u32 $0x1, s4  }
0x6: {  	s5 =	sshll.u32 s0, $0x6;
	_ =	strace $0x80000047;
	s29 =	sshrl.u32 s16, $0x3  }
0x7: {  	s5 =	sor.u32 $0x1C01, s5;
	s6 =	sadd.s32 s16, s2;
	s4 =	sadd.s32 s29, s15  }
0x8: {  	s7 =	sshrl.u32 s6, $0x3;
	s6 =	simm.s32 $0x1;
	s4 =	sadd.s32 $0x64A00, s4  }
0x9: {  	[spmem:s7], [sflag:s5] =	dma.local [hbm:s4], $0x310  }
0xa: {  	s8 =	sshll.u32 s17, $0x4;
	_ =	swait.ge [sflag:s6], $0x310  }
0xb: {  	s9 =	simm.s32 $0x19000;
	s8 =	sor.u32 s0, s8;
	[sflag:s6] =	ssyncset.done $0x0  }
0xc: {  	s10 =	smul.u32 $0x3200, s8;
	s8 =	sadd.s32 $0x67C00, s15;
	[sflag:s6] =	ssyncadd.s32 $0xFFFFFCF0  }
0xd: {  	[tilespmem:s9], [sflag:$0x1] =	stream.linear.gather [hbm4b:s8+s3], $0x5000, $0x38;
	[tilespmem:$0x1F880] =	vst v63  }
0xe: {  	_ =	swait.ge [sflag:s6], $0x5000  }
0xf: {  	s10 =	sadd.s32 s10, s15;
	[sflag:s6] =	ssyncset.done $0x0  }
0x10: {  	s10 =	sadd.s32 $0xA00, s10;
	[sflag:s6] =	ssyncadd.s32 $0xFFFFB000  }
0x11: {  	[tilespmem:s3], [sflag:$0x1] =	stream.linear.gather [hbm4b:s10+s3], $0x19000, $0x38;
	[tilespmem:$0x1F880] =	vst v63  }
0x12: {  	_ =	swait.ge [sflag:s6], $0x19000  }
0x13: {  	[sflag:s6] =	ssyncset.done $0x0  }
0x14: {  	[sflag:s6] =	ssyncadd.s32 $0xFFFE7000  }
0x15: {  	s11 =	simm.s32 $0x5000;
	[bflag:$0x0] =	sbarrier.arrive $0xFFFF  }
0x16: {  	[spmem:s2] =	stream.indirect.scatter [tilespmem:s9], [sflag:$0x1], $0x1, s3, s11, $0xb8;
	[tilespmem:$0x1F880] =	vst v63  }
0x17: {  	_ =	swait.ge [sflag:s6], $0x5000  }
0x18: {  	[sflag:s6] =	ssyncset.done $0x0  }
0x19: {  	[sflag:s6] =	ssyncadd.s32 $0xFFFFB000  }
0x1a: {  	[spmem:s2] =	stream.indirect.scatter [tilespmem:s9], [sflag:$0x1], $0x1, s11, s11, $0xb8;
	[tilespmem:$0x1F880] =	vst v63  }
0x1b: {  	_ =	swait.ge [sflag:s6], $0x5000  }
0x1c: {  	[sflag:s6] =	ssyncset.done $0x0  }
0x1d: {  	s12 =	simm.s32 $0xA000;
	[sflag:s6] =	ssyncadd.s32 $0xFFFFB000  }
0x1e: {  	[spmem:s2] =	stream.indirect.scatter [tilespmem:s9], [sflag:$0x1], $0x1, s12, s11, $0xb8;
	[tilespmem:$0x1F880] =	vst v63  }
0x1f: {  	_ =	swait.ge [sflag:s6], $0x5000  }
0x20: {  	[sflag:s6] =	ssyncset.done $0x0  }
0x21: {  	s13 =	simm.s32 $0xF000;
	s18 =	smul.u32 $0x18800, s17;
	[sflag:s6] =	ssyncadd.s32 $0xFFFFB000  }
0x22: {  	[spmem:s2] =	stream.indirect.scatter [tilespmem:s9], [sflag:$0x1], $0x1, s13, s11, $0xb8;
	[tilespmem:$0x1F880] =	vst v63  }
0x23: {  	s14 =	simm.s32 $0x14000;
	s17 =	ssub.s32 $0x2, s17;
	_ =	swait.ge [sflag:s6], $0x5000  }
0x24: {  	s30 =	sshrl.u32 s17, $0x1;
	s16 =	sadd.s32 s16, s18;
	[sflag:s6] =	ssyncset.done $0x0  }
0x25: {  	s31 =	ssub.s32 s17, s30;
	s16 =	sshrl.u32 s16, $0x3;
	[sflag:s6] =	ssyncadd.s32 $0xFFFFB000  }
0x26: {  	[spmem:s2] =	stream.indirect.scatter [tilespmem:s9], [sflag:$0x1], $0x1, s14, s11, $0xb8;
	[tilespmem:$0x1F880] =	vst v63  }
0x27: {  	s15 =	sadd.s32 s16, s15;
	s16 =	smax.u32 s31, $0x1;
	_ =	swait.ge [sflag:s6], $0x5000  }
0x28: {  	p0 =	sne.s32 s16, $0x1;
	[sflag:s6] =	ssyncset.done $0x0  }
.Ltmp0:
0x29: {  	[sflag:s6] =	ssyncadd.s32 $0xFFFFB000;
	(pc) =	sbr.rel @!p0 .LBB2_2-.Ltmp0, $4  }
0x2a: {  	s15 =	sadd.s32 $0x68600, s15;
	[bflag:$0x0] =	sbarrier.arrive $0xFFFF  }
0x2b: {  	[hbm:s15], [sflag:s5] =	dma.local [spmem:s7], $0x310  }
0x2c: {  	_ =	swait.ge [sflag:s6], $0x310  }
0x2d: {  	s16 =	sadd.s32 $0xFFFFFFFF, s16;
	[sflag:s6] =	ssyncset.done $0x0  }
.LBB2_1:
0x2e: {  	p0 =	sne.s32 s16, $0x1;
	s16 =	sadd.s32 $0xFFFFFFFF, s16;
	[sflag:s6] =	ssyncadd.s32 $0xFFFFFCF0  }
0x2f: {  	[spmem:s7], [sflag:s5] =	dma.local [hbm:s4], $0x310  }
0x30: {  	_ =	swait.ge [sflag:s6], $0x310  }
0x31: {  	[sflag:s6] =	ssyncset.done $0x0  }
0x32: {  	[sflag:s6] =	ssyncadd.s32 $0xFFFFFCF0  }
0x33: {  	[tilespmem:s9], [sflag:$0x1] =	stream.linear.gather [hbm4b:s8+s3], $0x5000, $0x38;
	[tilespmem:$0x1F880] =	vst v63  }
0x34: {  	_ =	swait.ge [sflag:s6], $0x5000  }
0x35: {  	[sflag:s6] =	ssyncset.done $0x0  }
0x36: {  	[sflag:s6] =	ssyncadd.s32 $0xFFFFB000  }
0x37: {  	[tilespmem:s3], [sflag:$0x1] =	stream.linear.gather [hbm4b:s10+s3], $0x19000, $0x38;
	[tilespmem:$0x1F880] =	vst v63  }
0x38: {  	_ =	swait.ge [sflag:s6], $0x19000  }
0x39: {  	[sflag:s6] =	ssyncset.done $0x0  }
0x3a: {  	[sflag:s6] =	ssyncadd.s32 $0xFFFE7000  }
0x3b: {  	[bflag:$0x0] =	sbarrier.arrive $0xFFFF  }
0x3c: {  	[spmem:s2] =	stream.indirect.scatter [tilespmem:s9], [sflag:$0x1], $0x1, s3, s11, $0xb8;
	[tilespmem:$0x1F880] =	vst v63  }
0x3d: {  	_ =	swait.ge [sflag:s6], $0x5000  }
0x3e: {  	[sflag:s6] =	ssyncset.done $0x0  }
0x3f: {  	[sflag:s6] =	ssyncadd.s32 $0xFFFFB000  }
0x40: {  	[spmem:s2] =	stream.indirect.scatter [tilespmem:s9], [sflag:$0x1], $0x1, s11, s11, $0xb8;
	[tilespmem:$0x1F880] =	vst v63  }
0x41: {  	_ =	swait.ge [sflag:s6], $0x5000  }
0x42: {  	[sflag:s6] =	ssyncset.done $0x0  }
0x43: {  	[sflag:s6] =	ssyncadd.s32 $0xFFFFB000  }
0x44: {  	[spmem:s2] =	stream.indirect.scatter [tilespmem:s9], [sflag:$0x1], $0x1, s12, s11, $0xb8;
	[tilespmem:$0x1F880] =	vst v63  }
0x45: {  	_ =	swait.ge [sflag:s6], $0x5000  }
0x46: {  	[sflag:s6] =	ssyncset.done $0x0  }
0x47: {  	[sflag:s6] =	ssyncadd.s32 $0xFFFFB000  }
0x48: {  	[spmem:s2] =	stream.indirect.scatter [tilespmem:s9], [sflag:$0x1], $0x1, s13, s11, $0xb8;
	[tilespmem:$0x1F880] =	vst v63  }
0x49: {  	_ =	swait.ge [sflag:s6], $0x5000  }
0x4a: {  	[sflag:s6] =	ssyncset.done $0x0  }
0x4b: {  	[sflag:s6] =	ssyncadd.s32 $0xFFFFB000  }
0x4c: {  	[spmem:s2] =	stream.indirect.scatter [tilespmem:s9], [sflag:$0x1], $0x1, s14, s11, $0xb8;
	[tilespmem:$0x1F880] =	vst v63  }
0x4d: {  	_ =	swait.ge [sflag:s6], $0x5000  }
0x4e: {  	[sflag:s6] =	ssyncset.done $0x0  }
.Ltmp1:
0x4f: {  	[sflag:s6] =	ssyncadd.s32 $0xFFFFB000;
	(pc) =	sbr.rel @p0 .LBB2_1-.Ltmp1, $4  }
0x50: {  	[bflag:$0x0] =	sbarrier.arrive $0xFFFF  }
0x51: {  	[hbm:s15], [sflag:s5] =	dma.local [spmem:s7], $0x310  }
0x52: {  	_ =	swait.ge [sflag:s6], $0x310  }
0x53: {  	[sflag:s6] =	ssyncset.done $0x0  }
.LBB2_2:
0x54: {  	[sflag:s6] =	ssyncadd.s32 $0xFFFFFCF0  }
0x55: {  	_ =	sfence.sel $0x180000  }
0x56: {  	[bflag:$0x0] =	sbarrier.arrive $0xFFFF  }
0x57: {  	p0 =	sne.s32 s0, $0x0;
	_ =	strace $0x90000047  }
0x58: {  	s0 =	sadd.s32 @!p0 $0x100000, s1;
	[bflag:$0x2] =	sbarrier.arrive $0xFFFF  }
0x59: {  	[sflag:s0] =	ssyncadd.tile.s32 @!p0 $0x1;
	_ =	shalt  }
.Lfunc_end2:
_tile_overlayer_lowered:
.L_overlay_start_2:
0x5a: {  	(tag) =	ssettag $0x2  }
0x5b: {  	s0 =	rddreg [dreg:$0x0];
	s2 =	stileid.u32  }
0x5c: {  	s1 =	rddreg [dreg:$0x1];
	p0 =	sne.s32 s2, $0x0  }
0x5d: {  	s3 =	rddreg [dreg:$0x2];
	[bflag:$0x3] =	sbarrier.arrive $0xFFFF;
	s2 =	simm.s32 @!p0 $0x1C01  }
0x5e: {  	[timem:s3], [sflag:s2] =	dma.local @!p0 [hbm:s0], s1  }
0x5f: {  	s0 =	simm.s32 @!p0 $0x1  }
0x60: {  	_ =	swait.ge @!p0 [sflag:s0], s1  }
0x61: {  	s1 =	ssub.s32 @!p0 $0x0, s1;
	[sflag:s0] =	ssyncset.done @!p0 $0x0  }
0x62: {  	[sflag:s0] =	ssyncadd.s32 @!p0 s1  }
0x63: {  	[bflag:$0x3] =	sbarrier.arrive $0xFFFF  }
0x64: {  	_ =	shalt  }

</sc_bundles>
